<compile_context>
chip_gen: v7x
topology: tpu7x:2x2x1
jax: 0.10.2.dev20260603
libtpu: 0.0.44.dev20260713+nightly
codegen_flags: <defaults>
</compile_context>

<pallas_src>
import functools

import jax
import jax.numpy as jnp
from jax import lax
from jax.experimental import pallas as pl
from jax.experimental.pallas import tpu as pltpu
from jax.experimental.pallas import tpu_sc as plsc

BATCH = 16384
HIST = 50
EMBED = 32
N = BATCH * HIST
NUM_WORKERS = 32
PER_WORKER = N // NUM_WORKERS
CHUNK = 1280
HALF = CHUNK // 2
NUM_CHUNKS = PER_WORKER // CHUNK
HALF_STEPS = NUM_CHUNKS // 2

_mesh = plsc.VectorSubcoreMesh(core_axis_name="c", subcore_axis_name="s")


@functools.partial(
    pl.kernel,
    mesh=_mesh,
    out_type=jax.ShapeDtypeStruct((N, EMBED), jnp.float32),
    scratch_types=[
        pltpu.VMEM((PER_WORKER,), jnp.int32),
        pltpu.VMEM((CHUNK, EMBED), jnp.float32),
        pltpu.VMEM((CHUNK, EMBED), jnp.float32),
        pltpu.SemaphoreType.DMA,
        pltpu.SemaphoreType.DMA,
        pltpu.SemaphoreType.DMA,
        pltpu.SemaphoreType.DMA,
        pltpu.SemaphoreType.DMA,
        pltpu.SemaphoreType.DMA,
    ],
    compiler_params=pltpu.CompilerParams(use_tc_tiling_on_sc=False),
)
def _gather_kernel(idx_hbm, table_hbm, out_hbm, idx_v, rows0, rows1,
                   ga0, gb0, ga1, gb1, osem0, osem1):
    gsems = [(ga0, gb0), (ga1, gb1)]
    osems = [osem0, osem1]
    bufs = [rows0, rows1]

    wid = lax.axis_index("s") * 2 + lax.axis_index("c")
    base = wid * PER_WORKER

    pltpu.sync_copy(idx_hbm.at[pl.ds(base, PER_WORKER)], idx_v)

    def half_slice(g, h):
        return idx_v.at[pl.ds(pl.multiple_of(g * CHUNK + h * HALF, 8), HALF)]

    def fire_gather(g, j):
        buf = bufs[j]
        sa, sb = gsems[j]
        pltpu.async_copy(table_hbm.at[half_slice(g, 0)], buf.at[pl.ds(0, HALF)], sa)
        pltpu.async_copy(table_hbm.at[half_slice(g, 1)], buf.at[pl.ds(HALF, HALF)], sb)

    def wait_gather(j):
        buf = bufs[j]
        sa, sb = gsems[j]
        pltpu.make_async_copy(
            table_hbm.at[half_slice(0, 0)], buf.at[pl.ds(0, HALF)], sa).wait()
        pltpu.make_async_copy(
            table_hbm.at[half_slice(0, 1)], buf.at[pl.ds(HALF, HALF)], sb).wait()

    def out_ref(g):
        return out_hbm.at[pl.ds(base + pl.multiple_of(g * CHUNK, 8), CHUNK)]

    def fire_out(g, j):
        pltpu.async_copy(bufs[j], out_ref(g), osems[j])

    def wait_out(g, j):
        pltpu.make_async_copy(bufs[j], out_ref(g), osems[j]).wait()

    fire_gather(0, 0)

    def body(i, carry):
        g0 = i * 2
        wait_gather(0)

        @pl.when(i > 0)
        def _():
            wait_out(g0 - 1, 1)

        fire_gather(g0 + 1, 1)
        fire_out(g0, 0)

        wait_gather(1)
        wait_out(g0, 0)

        @pl.when(i < HALF_STEPS - 1)
        def _():
            fire_gather(g0 + 2, 0)

        fire_out(g0 + 1, 1)
        return carry

    lax.fori_loop(0, HALF_STEPS, body, 0)
    wait_out(NUM_CHUNKS - 1, 1)


def kernel(indices, table):
    idx = indices.reshape(-1).astype(jnp.int32)
    out = _gather_kernel(idx, table)
    return out.reshape(BATCH, HIST, EMBED)

# --- scband reference (transcript-rebuilt; emitter-appended) ---
"""Pipeline reference for scband-custom-embedder-layer-13280038879793 (READ-ONLY COPY).

The authoritative reference and input builder live on the scoring server;
editing this copy changes nothing except your own understanding.
"""

import jax, jax.numpy as jnp
import numpy as np

VOCAB_LEN = 1000000
EMBED_DIM = 32
BATCH = 16384
HIST_LEN = 50

def setup_inputs(seed: int = 0) -> dict:
    key = jax.random.key(seed)
    k_idx, k_tab = jax.random.split(key)
    indices = jax.random.randint(k_idx, (BATCH, HIST_LEN), 0, VOCAB_LEN, dtype=jnp.int64 if jax.config.jax_enable_x64 else jnp.int32)
    # Embedding table (Keras Embedding uses uniform init by default; values irrelevant to structure)
    table = jax.random.uniform(k_tab, (VOCAB_LEN, EMBED_DIM), dtype=jnp.float32, minval=-0.05, maxval=0.05)
    return {"indices": indices, "table": table}

def reference(indices, table):
    # CustomEmbedderLayer wraps keras.layers.Embedding(vocab_len, embed_dim, mask_zero=0)
    # Forward is a plain embedding lookup: out[b, l, :] = table[indices[b, l], :]
    out = jnp.take(table, indices, axis=0)
    return out

if __name__ == "__main__":
    import jax
    _d = setup_inputs()
    print(jax.jit(kernel)(*tuple(_d.values())))

</pallas_src>

<mosaic_0001>
#map = affine_map<(d0, d1) -> (0)>
#map1 = affine_map<(d0, d1) -> (0, 0)>
module attributes {stable_mosaic.version = 14 : i64} {
  func.func @_gather_kernel(%arg0: i32, %arg1: i32, %arg2: memref<819200xi32, #tpu.memory_space<hbm>>, %arg3: memref<1000000x32xf32, #tpu.memory_space<hbm>>, %arg4: memref<819200x32xf32, #tpu.memory_space<hbm>>, %arg5: memref<25600xi32, #tpu.memory_space<vmem>>, %arg6: memref<1280x32xf32, #tpu.memory_space<vmem>>, %arg7: memref<1280x32xf32, #tpu.memory_space<vmem>>, %arg8: memref<!tpu.dma_semaphore, #tpu.memory_space<semaphore_mem>>, %arg9: memref<!tpu.dma_semaphore, #tpu.memory_space<semaphore_mem>>, %arg10: memref<!tpu.dma_semaphore, #tpu.memory_space<semaphore_mem>>, %arg11: memref<!tpu.dma_semaphore, #tpu.memory_space<semaphore_mem>>, %arg12: memref<!tpu.dma_semaphore, #tpu.memory_space<semaphore_mem>>, %arg13: memref<!tpu.dma_semaphore, #tpu.memory_space<semaphore_mem>>) attributes {dimension_semantics = [#tpu.dimension_semantics<core_parallel>, #tpu.dimension_semantics<subcore_parallel>], iteration_bounds = array<i64: 2, 16>, scalar_prefetch = 0 : i64, scratch_operands = 9 : i64, tpu.core_type = #tpu.core_type<sc_vector_subcore>, window_params = [{transform_indices = #map}, {transform_indices = #map1}, {transform_indices = #map1}]} {
    %mul3A = arith.constant 2 : i32
    %mul3A_0 = arith.muli %arg1, %mul3A : i32
    %add3A = arith.addi %mul3A_0, %arg0 : i32
    %mul3A_1 = arith.constant 25600 : i32
    %mul3A_2 = arith.muli %add3A, %mul3A_1 : i32
    "tpu.region"() ({
      %run_scoped3A = tpu.sem_alloc : memref<!tpu.dma_semaphore, #tpu.memory_space<semaphore_mem>>
      %dma_start3A_30 = tpu.memref_slice %arg2[%mul3A_2] : memref<819200xi32, #tpu.memory_space<hbm>> -> memref<25600xi32, #tpu.memory_space<hbm>>
      %dma_start3A_31 = tpu.memref_slice %arg2[%mul3A_2] : memref<819200xi32, #tpu.memory_space<hbm>> -> memref<25600xi32, #tpu.memory_space<hbm>>
      tpu.enqueue_dma source(%dma_start3A_31 : memref<25600xi32, #tpu.memory_space<hbm>>) target(%arg5 : memref<25600xi32, #tpu.memory_space<vmem>>) target_semaphore(%run_scoped3A : memref<!tpu.dma_semaphore, #tpu.memory_space<semaphore_mem>>)
      %dma_wait3A_32 = tpu.memref_slice %arg2[%mul3A_2] : memref<819200xi32, #tpu.memory_space<hbm>> -> memref<25600xi32, #tpu.memory_space<hbm>>
      %dma_wait3A_33 = tpu.memref_slice %arg2[%mul3A_2] : memref<819200xi32, #tpu.memory_space<hbm>> -> memref<25600xi32, #tpu.memory_space<hbm>>
      tpu.wait_dma2 semaphore(%run_scoped3A : memref<!tpu.dma_semaphore, #tpu.memory_space<semaphore_mem>>) src(%dma_wait3A_33 : memref<25600xi32, #tpu.memory_space<hbm>>) dst(%arg5 : memref<25600xi32, #tpu.memory_space<vmem>>)
      tpu.yield
    }) : () -> ()
    %multiple_of3A = arith.constant 0 : i32
    %multiple_of3A_3 = tpu.assume_multiple %multiple_of3A, 8 : i32
    %dma_start3A = arith.constant 0 : i32
    %dma_start3A_4 = arith.constant 0 : i32
    %dma_start3A_5 = tpu.memref_slice %arg6[%dma_start3A, %dma_start3A_4] : memref<1280x32xf32, #tpu.memory_space<vmem>> -> memref<640x32xf32, #tpu.memory_space<vmem>>
    %dma_start3A_6 = tpu.memref_slice %arg5[%multiple_of3A_3] : memref<25600xi32, #tpu.memory_space<vmem>> -> memref<640xi32, #tpu.memory_space<vmem>>
    %dma_start3A_7 = arith.constant 0 : i32
    %dma_start3A_8 = arith.constant 0 : i32
    %dma_start3A_9 = tpu.memref_slice %arg3[%dma_start3A_7, %dma_start3A_8] : memref<1000000x32xf32, #tpu.memory_space<hbm>> -> memref<1000000x32xf32, #tpu.memory_space<hbm>>
    tpu.enqueue_indirect_dma source(%dma_start3A_9 : memref<1000000x32xf32, #tpu.memory_space<hbm>>) target(%dma_start3A_5 : memref<640x32xf32, #tpu.memory_space<vmem>>) offsets(%dma_start3A_6 : memref<640xi32, #tpu.memory_space<vmem>>) semaphore(%arg8 : memref<!tpu.dma_semaphore, #tpu.memory_space<semaphore_mem>>)
    %multiple_of3A_10 = arith.constant 640 : i32
    %multiple_of3A_11 = tpu.assume_multiple %multiple_of3A_10, 8 : i32
    %dma_start3A_12 = arith.constant 640 : i32
    %dma_start3A_13 = arith.constant 0 : i32
    %dma_start3A_14 = tpu.memref_slice %arg6[%dma_start3A_12, %dma_start3A_13] : memref<1280x32xf32, #tpu.memory_space<vmem>> -> memref<640x32xf32, #tpu.memory_space<vmem>>
    %dma_start3A_15 = tpu.memref_slice %arg5[%multiple_of3A_11] : memref<25600xi32, #tpu.memory_space<vmem>> -> memref<640xi32, #tpu.memory_space<vmem>>
    %dma_start3A_16 = arith.constant 0 : i32
    %dma_start3A_17 = arith.constant 0 : i32
    %dma_start3A_18 = tpu.memref_slice %arg3[%dma_start3A_16, %dma_start3A_17] : memref<1000000x32xf32, #tpu.memory_space<hbm>> -> memref<1000000x32xf32, #tpu.memory_space<hbm>>
    tpu.enqueue_indirect_dma source(%dma_start3A_18 : memref<1000000x32xf32, #tpu.memory_space<hbm>>) target(%dma_start3A_14 : memref<640x32xf32, #tpu.memory_space<vmem>>) offsets(%dma_start3A_15 : memref<640xi32, #tpu.memory_space<vmem>>) semaphore(%arg9 : memref<!tpu.dma_semaphore, #tpu.memory_space<semaphore_mem>>)
    %scan3A = arith.constant 0 : i32
    %scan3A_19 = arith.constant 0 : i32
    %scan3A_20 = arith.constant 10 : i32
    %scan3A_21 = arith.addi %scan3A_19, %scan3A_20 : i32
    %scan3A_22 = arith.constant 1 : i32
    scf.for %scan3A_30 = %scan3A_19 to %scan3A_21 step %scan3A_22  : i32 {
      %mul3A_31 = arith.constant 2 : i32
      %mul3A_32 = arith.muli %scan3A_30, %mul3A_31 : i32
      %multiple_of3A_33 = arith.constant 0 : i32
      %multiple_of3A_34 = tpu.assume_multiple %multiple_of3A_33, 8 : i32
      %dma_wait3A_35 = arith.constant 0 : i32
      %dma_wait3A_36 = arith.constant 0 : i32
      %dma_wait3A_37 = tpu.memref_slice %arg6[%dma_wait3A_35, %dma_wait3A_36] : memref<1280x32xf32, #tpu.memory_space<vmem>> -> memref<640x32xf32, #tpu.memory_space<vmem>>
      %dma_wait3A_38 = tpu.memref_slice %arg5[%multiple_of3A_34] : memref<25600xi32, #tpu.memory_space<vmem>> -> memref<640xi32, #tpu.memory_space<vmem>>
      %dma_wait3A_39 = arith.constant 0 : i32
      %dma_wait3A_40 = arith.constant 0 : i32
      %dma_wait3A_41 = tpu.memref_slice %arg3[%dma_wait3A_39, %dma_wait3A_40] : memref<1000000x32xf32, #tpu.memory_space<hbm>> -> memref<1000000x32xf32, #tpu.memory_space<hbm>>
      tpu.wait_indirect_dma semaphore(%arg8 : memref<!tpu.dma_semaphore, #tpu.memory_space<semaphore_mem>>) src(%dma_wait3A_41 : memref<1000000x32xf32, #tpu.memory_space<hbm>>) dst(%dma_wait3A_37 : memref<640x32xf32, #tpu.memory_space<vmem>>)
      %multiple_of3A_42 = arith.constant 640 : i32
      %multiple_of3A_43 = tpu.assume_multiple %multiple_of3A_42, 8 : i32
      %dma_wait3A_44 = arith.constant 640 : i32
      %dma_wait3A_45 = arith.constant 0 : i32
      %dma_wait3A_46 = tpu.memref_slice %arg6[%dma_wait3A_44, %dma_wait3A_45] : memref<1280x32xf32, #tpu.memory_space<vmem>> -> memref<640x32xf32, #tpu.memory_space<vmem>>
      %dma_wait3A_47 = tpu.memref_slice %arg5[%multiple_of3A_43] : memref<25600xi32, #tpu.memory_space<vmem>> -> memref<640xi32, #tpu.memory_space<vmem>>
      %dma_wait3A_48 = arith.constant 0 : i32
      %dma_wait3A_49 = arith.constant 0 : i32
      %dma_wait3A_50 = tpu.memref_slice %arg3[%dma_wait3A_48, %dma_wait3A_49] : memref<1000000x32xf32, #tpu.memory_space<hbm>> -> memref<1000000x32xf32, #tpu.memory_space<hbm>>
      tpu.wait_indirect_dma semaphore(%arg9 : memref<!tpu.dma_semaphore, #tpu.memory_space<semaphore_mem>>) src(%dma_wait3A_50 : memref<1000000x32xf32, #tpu.memory_space<hbm>>) dst(%dma_wait3A_46 : memref<640x32xf32, #tpu.memory_space<vmem>>)
      %gt3A = arith.constant 0 : i32
      %gt3A_51 = arith.cmpi sgt, %scan3A_30, %gt3A : i32
      %convert_element_type3A = arith.extui %gt3A_51 : i1 to i32
      %cond3A = arith.constant 0 : i32
      %cond3A_52 = arith.cmpi ne, %convert_element_type3A, %cond3A : i32
      scf.if %cond3A_52 {
        %sub3A = arith.constant 1 : i32
        %sub3A_127 = arith.subi %mul3A_32, %sub3A : i32
        %mul3A_128 = arith.constant 1280 : i32
        %mul3A_129 = arith.muli %sub3A_127, %mul3A_128 : i32
        %multiple_of3A_130 = tpu.assume_multiple %mul3A_129, 8 : i32
        %add3A_131 = arith.addi %mul3A_2, %multiple_of3A_130 : i32
        %dma_wait3A_132 = arith.constant 0 : i32
        %dma_wait3A_133 = tpu.memref_slice %arg4[%add3A_131, %dma_wait3A_132] : memref<819200x32xf32, #tpu.memory_space<hbm>> -> memref<1280x32xf32, #tpu.memory_space<hbm>>
        %dma_wait3A_134 = arith.constant 0 : i32
        %dma_wait3A_135 = tpu.memref_slice %arg4[%add3A_131, %dma_wait3A_134] : memref<819200x32xf32, #tpu.memory_space<hbm>> -> memref<1280x32xf32, #tpu.memory_space<hbm>>
        tpu.wait_dma2 semaphore(%arg13 : memref<!tpu.dma_semaphore, #tpu.memory_space<semaphore_mem>>) src(%arg7 : memref<1280x32xf32, #tpu.memory_space<vmem>>) dst(%dma_wait3A_135 : memref<1280x32xf32, #tpu.memory_space<hbm>>)
      } else {
      }
      %add3A_53 = arith.constant 1 : i32
      %add3A_54 = arith.addi %mul3A_32, %add3A_53 : i32
      %mul3A_55 = arith.constant 1280 : i32
      %mul3A_56 = arith.muli %add3A_54, %mul3A_55 : i32
      %add3A_57 = arith.constant 0 : i32
      %add3A_58 = arith.addi %mul3A_56, %add3A_57 : i32
      %multiple_of3A_59 = tpu.assume_multiple %add3A_58, 8 : i32
      %dma_start3A_60 = arith.constant 0 : i32
      %dma_start3A_61 = arith.constant 0 : i32
      %dma_start3A_62 = tpu.memref_slice %arg7[%dma_start3A_60, %dma_start3A_61] : memref<1280x32xf32, #tpu.memory_space<vmem>> -> memref<640x32xf32, #tpu.memory_space<vmem>>
      %dma_start3A_63 = tpu.memref_slice %arg5[%multiple_of3A_59] : memref<25600xi32, #tpu.memory_space<vmem>> -> memref<640xi32, #tpu.memory_space<vmem>>
      %dma_start3A_64 = arith.constant 0 : i32
      %dma_start3A_65 = arith.constant 0 : i32
      %dma_start3A_66 = tpu.memref_slice %arg3[%dma_start3A_64, %dma_start3A_65] : memref<1000000x32xf32, #tpu.memory_space<hbm>> -> memref<1000000x32xf32, #tpu.memory_space<hbm>>
      tpu.enqueue_indirect_dma source(%dma_start3A_66 : memref<1000000x32xf32, #tpu.memory_space<hbm>>) target(%dma_start3A_62 : memref<640x32xf32, #tpu.memory_space<vmem>>) offsets(%dma_start3A_63 : memref<640xi32, #tpu.memory_space<vmem>>) semaphore(%arg10 : memref<!tpu.dma_semaphore, #tpu.memory_space<semaphore_mem>>)
      %mul3A_67 = arith.constant 1280 : i32
      %mul3A_68 = arith.muli %add3A_54, %mul3A_67 : i32
      %add3A_69 = arith.constant 640 : i32
      %add3A_70 = arith.addi %mul3A_68, %add3A_69 : i32
      %multiple_of3A_71 = tpu.assume_multiple %add3A_70, 8 : i32
      %dma_start3A_72 = arith.constant 640 : i32
      %dma_start3A_73 = arith.constant 0 : i32
      %dma_start3A_74 = tpu.memref_slice %arg7[%dma_start3A_72, %dma_start3A_73] : memref<1280x32xf32, #tpu.memory_space<vmem>> -> memref<640x32xf32, #tpu.memory_space<vmem>>
      %dma_start3A_75 = tpu.memref_slice %arg5[%multiple_of3A_71] : memref<25600xi32, #tpu.memory_space<vmem>> -> memref<640xi32, #tpu.memory_space<vmem>>
      %dma_start3A_76 = arith.constant 0 : i32
      %dma_start3A_77 = arith.constant 0 : i32
      %dma_start3A_78 = tpu.memref_slice %arg3[%dma_start3A_76, %dma_start3A_77] : memref<1000000x32xf32, #tpu.memory_space<hbm>> -> memref<1000000x32xf32, #tpu.memory_space<hbm>>
      tpu.enqueue_indirect_dma source(%dma_start3A_78 : memref<1000000x32xf32, #tpu.memory_space<hbm>>) target(%dma_start3A_74 : memref<640x32xf32, #tpu.memory_space<vmem>>) offsets(%dma_start3A_75 : memref<640xi32, #tpu.memory_space<vmem>>) semaphore(%arg11 : memref<!tpu.dma_semaphore, #tpu.memory_space<semaphore_mem>>)
      %mul3A_79 = arith.constant 1280 : i32
      %mul3A_80 = arith.muli %mul3A_32, %mul3A_79 : i32
      %multiple_of3A_81 = tpu.assume_multiple %mul3A_80, 8 : i32
      %add3A_82 = arith.addi %mul3A_2, %multiple_of3A_81 : i32
      %dma_start3A_83 = arith.constant 0 : i32
      %dma_start3A_84 = tpu.memref_slice %arg4[%add3A_82, %dma_start3A_83] : memref<819200x32xf32, #tpu.memory_space<hbm>> -> memref<1280x32xf32, #tpu.memory_space<hbm>>
      %dma_start3A_85 = arith.constant 0 : i32
      %dma_start3A_86 = tpu.memref_slice %arg4[%add3A_82, %dma_start3A_85] : memref<819200x32xf32, #tpu.memory_space<hbm>> -> memref<1280x32xf32, #tpu.memory_space<hbm>>
      tpu.enqueue_dma source(%arg6 : memref<1280x32xf32, #tpu.memory_space<vmem>>) target(%dma_start3A_86 : memref<1280x32xf32, #tpu.memory_space<hbm>>) target_semaphore(%arg12 : memref<!tpu.dma_semaphore, #tpu.memory_space<semaphore_mem>>)
      %multiple_of3A_87 = arith.constant 0 : i32
      %multiple_of3A_88 = tpu.assume_multiple %multiple_of3A_87, 8 : i32
      %dma_wait3A_89 = arith.constant 0 : i32
      %dma_wait3A_90 = arith.constant 0 : i32
      %dma_wait3A_91 = tpu.memref_slice %arg7[%dma_wait3A_89, %dma_wait3A_90] : memref<1280x32xf32, #tpu.memory_space<vmem>> -> memref<640x32xf32, #tpu.memory_space<vmem>>
      %dma_wait3A_92 = tpu.memref_slice %arg5[%multiple_of3A_88] : memref<25600xi32, #tpu.memory_space<vmem>> -> memref<640xi32, #tpu.memory_space<vmem>>
      %dma_wait3A_93 = arith.constant 0 : i32
      %dma_wait3A_94 = arith.constant 0 : i32
      %dma_wait3A_95 = tpu.memref_slice %arg3[%dma_wait3A_93, %dma_wait3A_94] : memref<1000000x32xf32, #tpu.memory_space<hbm>> -> memref<1000000x32xf32, #tpu.memory_space<hbm>>
      tpu.wait_indirect_dma semaphore(%arg10 : memref<!tpu.dma_semaphore, #tpu.memory_space<semaphore_mem>>) src(%dma_wait3A_95 : memref<1000000x32xf32, #tpu.memory_space<hbm>>) dst(%dma_wait3A_91 : memref<640x32xf32, #tpu.memory_space<vmem>>)
      %multiple_of3A_96 = arith.constant 640 : i32
      %multiple_of3A_97 = tpu.assume_multiple %multiple_of3A_96, 8 : i32
      %dma_wait3A_98 = arith.constant 640 : i32
      %dma_wait3A_99 = arith.constant 0 : i32
      %dma_wait3A_100 = tpu.memref_slice %arg7[%dma_wait3A_98, %dma_wait3A_99] : memref<1280x32xf32, #tpu.memory_space<vmem>> -> memref<640x32xf32, #tpu.memory_space<vmem>>
      %dma_wait3A_101 = tpu.memref_slice %arg5[%multiple_of3A_97] : memref<25600xi32, #tpu.memory_space<vmem>> -> memref<640xi32, #tpu.memory_space<vmem>>
      %dma_wait3A_102 = arith.constant 0 : i32
      %dma_wait3A_103 = arith.constant 0 : i32
      %dma_wait3A_104 = tpu.memref_slice %arg3[%dma_wait3A_102, %dma_wait3A_103] : memref<1000000x32xf32, #tpu.memory_space<hbm>> -> memref<1000000x32xf32, #tpu.memory_space<hbm>>
      tpu.wait_indirect_dma semaphore(%arg11 : memref<!tpu.dma_semaphore, #tpu.memory_space<semaphore_mem>>) src(%dma_wait3A_104 : memref<1000000x32xf32, #tpu.memory_space<hbm>>) dst(%dma_wait3A_100 : memref<640x32xf32, #tpu.memory_space<vmem>>)
      %mul3A_105 = arith.constant 1280 : i32
      %mul3A_106 = arith.muli %mul3A_32, %mul3A_105 : i32
      %multiple_of3A_107 = tpu.assume_multiple %mul3A_106, 8 : i32
      %add3A_108 = arith.addi %mul3A_2, %multiple_of3A_107 : i32
      %dma_wait3A_109 = arith.constant 0 : i32
      %dma_wait3A_110 = tpu.memref_slice %arg4[%add3A_108, %dma_wait3A_109] : memref<819200x32xf32, #tpu.memory_space<hbm>> -> memref<1280x32xf32, #tpu.memory_space<hbm>>
      %dma_wait3A_111 = arith.constant 0 : i32
      %dma_wait3A_112 = tpu.memref_slice %arg4[%add3A_108, %dma_wait3A_111] : memref<819200x32xf32, #tpu.memory_space<hbm>> -> memref<1280x32xf32, #tpu.memory_space<hbm>>
      tpu.wait_dma2 semaphore(%arg12 : memref<!tpu.dma_semaphore, #tpu.memory_space<semaphore_mem>>) src(%arg6 : memref<1280x32xf32, #tpu.memory_space<vmem>>) dst(%dma_wait3A_112 : memref<1280x32xf32, #tpu.memory_space<hbm>>)
      %lt3A = arith.constant 9 : i32
      %lt3A_113 = arith.cmpi slt, %scan3A_30, %lt3A : i32
      %convert_element_type3A_114 = arith.extui %lt3A_113 : i1 to i32
      %cond3A_115 = arith.constant 0 : i32
      %cond3A_116 = arith.cmpi ne, %convert_element_type3A_114, %cond3A_115 : i32
      scf.if %cond3A_116 {
        %add3A_127 = arith.constant 2 : i32
        %add3A_128 = arith.addi %mul3A_32, %add3A_127 : i32
        %mul3A_129 = arith.constant 1280 : i32
        %mul3A_130 = arith.muli %add3A_128, %mul3A_129 : i32
        %add3A_131 = arith.constant 0 : i32
        %add3A_132 = arith.addi %mul3A_130, %add3A_131 : i32
        %multiple_of3A_133 = tpu.assume_multiple %add3A_132, 8 : i32
        %dma_start3A_134 = arith.constant 0 : i32
        %dma_start3A_135 = arith.constant 0 : i32
        %dma_start3A_136 = tpu.memref_slice %arg6[%dma_start3A_134, %dma_start3A_135] : memref<1280x32xf32, #tpu.memory_space<vmem>> -> memref<640x32xf32, #tpu.memory_space<vmem>>
        %dma_start3A_137 = tpu.memref_slice %arg5[%multiple_of3A_133] : memref<25600xi32, #tpu.memory_space<vmem>> -> memref<640xi32, #tpu.memory_space<vmem>>
        %dma_start3A_138 = arith.constant 0 : i32
        %dma_start3A_139 = arith.constant 0 : i32
        %dma_start3A_140 = tpu.memref_slice %arg3[%dma_start3A_138, %dma_start3A_139] : memref<1000000x32xf32, #tpu.memory_space<hbm>> -> memref<1000000x32xf32, #tpu.memory_space<hbm>>
        tpu.enqueue_indirect_dma source(%dma_start3A_140 : memref<1000000x32xf32, #tpu.memory_space<hbm>>) target(%dma_start3A_136 : memref<640x32xf32, #tpu.memory_space<vmem>>) offsets(%dma_start3A_137 : memref<640xi32, #tpu.memory_space<vmem>>) semaphore(%arg8 : memref<!tpu.dma_semaphore, #tpu.memory_space<semaphore_mem>>)
        %mul3A_141 = arith.constant 1280 : i32
        %mul3A_142 = arith.muli %add3A_128, %mul3A_141 : i32
        %add3A_143 = arith.constant 640 : i32
        %add3A_144 = arith.addi %mul3A_142, %add3A_143 : i32
        %multiple_of3A_145 = tpu.assume_multiple %add3A_144, 8 : i32
        %dma_start3A_146 = arith.constant 640 : i32
        %dma_start3A_147 = arith.constant 0 : i32
        %dma_start3A_148 = tpu.memref_slice %arg6[%dma_start3A_146, %dma_start3A_147] : memref<1280x32xf32, #tpu.memory_space<vmem>> -> memref<640x32xf32, #tpu.memory_space<vmem>>
        %dma_start3A_149 = tpu.memref_slice %arg5[%multiple_of3A_145] : memref<25600xi32, #tpu.memory_space<vmem>> -> memref<640xi32, #tpu.memory_space<vmem>>
        %dma_start3A_150 = arith.constant 0 : i32
        %dma_start3A_151 = arith.constant 0 : i32
        %dma_start3A_152 = tpu.memref_slice %arg3[%dma_start3A_150, %dma_start3A_151] : memref<1000000x32xf32, #tpu.memory_space<hbm>> -> memref<1000000x32xf32, #tpu.memory_space<hbm>>
        tpu.enqueue_indirect_dma source(%dma_start3A_152 : memref<1000000x32xf32, #tpu.memory_space<hbm>>) target(%dma_start3A_148 : memref<640x32xf32, #tpu.memory_space<vmem>>) offsets(%dma_start3A_149 : memref<640xi32, #tpu.memory_space<vmem>>) semaphore(%arg9 : memref<!tpu.dma_semaphore, #tpu.memory_space<semaphore_mem>>)
      } else {
      }
      %add3A_117 = arith.constant 1 : i32
      %add3A_118 = arith.addi %mul3A_32, %add3A_117 : i32
      %mul3A_119 = arith.constant 1280 : i32
      %mul3A_120 = arith.muli %add3A_118, %mul3A_119 : i32
      %multiple_of3A_121 = tpu.assume_multiple %mul3A_120, 8 : i32
      %add3A_122 = arith.addi %mul3A_2, %multiple_of3A_121 : i32
      %dma_start3A_123 = arith.constant 0 : i32
      %dma_start3A_124 = tpu.memref_slice %arg4[%add3A_122, %dma_start3A_123] : memref<819200x32xf32, #tpu.memory_space<hbm>> -> memref<1280x32xf32, #tpu.memory_space<hbm>>
      %dma_start3A_125 = arith.constant 0 : i32
      %dma_start3A_126 = tpu.memref_slice %arg4[%add3A_122, %dma_start3A_125] : memref<819200x32xf32, #tpu.memory_space<hbm>> -> memref<1280x32xf32, #tpu.memory_space<hbm>>
      tpu.enqueue_dma source(%arg7 : memref<1280x32xf32, #tpu.memory_space<vmem>>) target(%dma_start3A_126 : memref<1280x32xf32, #tpu.memory_space<hbm>>) target_semaphore(%arg13 : memref<!tpu.dma_semaphore, #tpu.memory_space<semaphore_mem>>)
    }
    %scan3A_23 = arith.constant 10 : i32
    %multiple_of3A_24 = arith.constant 24320 : i32
    %multiple_of3A_25 = tpu.assume_multiple %multiple_of3A_24, 8 : i32
    %add3A_26 = arith.addi %mul3A_2, %multiple_of3A_25 : i32
    %dma_wait3A = arith.constant 0 : i32
    %dma_wait3A_27 = tpu.memref_slice %arg4[%add3A_26, %dma_wait3A] : memref<819200x32xf32, #tpu.memory_space<hbm>> -> memref<1280x32xf32, #tpu.memory_space<hbm>>
    %dma_wait3A_28 = arith.constant 0 : i32
    %dma_wait3A_29 = tpu.memref_slice %arg4[%add3A_26, %dma_wait3A_28] : memref<819200x32xf32, #tpu.memory_space<hbm>> -> memref<1280x32xf32, #tpu.memory_space<hbm>>
    tpu.wait_dma2 semaphore(%arg13 : memref<!tpu.dma_semaphore, #tpu.memory_space<semaphore_mem>>) src(%arg7 : memref<1280x32xf32, #tpu.memory_space<vmem>>) dst(%dma_wait3A_29 : memref<1280x32xf32, #tpu.memory_space<hbm>>)
    return
  }
}

</mosaic_0001>

<sc_bundles>
// kernel: kernel.3.cloned.1.call-start
scs
__scs_entry_jumppad:
0x0: {  	(pc) =	sbr.rel $0x88, $3  }
0x1: {  	(tag) =	ssettag $0x0;
	lr =	simm.s32 $0x1  }
0x2: {  	[smem:$0x3F9F] =	sst lr;
	_ =	strace $0xD0000000  }
0x3: {  	_ = 	snop  }
0x4: {  	_ = 	snop  }
0x5: {  	_ = 	snop  }
0x6: {  	_ = 	snop  }
0x7: {  	_ = 	snop  }
__scs_overlays_trampoline_lowered:
0x8: {  	[smem:$0x3FAE] =	sst s0  }
0x9: {  	[smem:$0x3FAF] =	sst s1  }
0xa: {  	[smem:$0x3FB0] =	sst s2  }
0xb: {  	[smem:$0x3FB1] =	sst s3  }
0xc: {  	[smem:$0x3FB2] =	sst s4  }
0xd: {  	[smem:$0x3FB3] =	sst s5  }
0xe: {  	[smem:$0x3FB4] =	sst s6  }
0xf: {  	[smem:$0x3FB5] =	sst s7  }
0x10: {  	[smem:$0x3FB6] =	sst s8  }
0x11: {  	[smem:$0x3FB7] =	sst s9;
	s0 =	simm.s32 @!p0 $0x0  }
0x12: {  	s1 =	sld [smem:$0x3F9D];
	s0 =	simm.s32 @p0 $0x1  }
0x13: {  	[smem:$0x3FB8] =	sst s0;
	s0 =	simm.s32 @!p1 $0x0  }
0x14: {  	s2 =	sld [smem:$0x3F9C];
	s0 =	simm.s32 @p1 $0x1  }
0x15: {  	[smem:$0x3FB9] =	sst s0;
	s0 =	simm.s32 @!p2 $0x0  }
0x16: {  	s3 =	sld [smem:$0x3FDB];
	s0 =	simm.s32 @p2 $0x1  }
0x17: {  	s4 =	simm.s32 $0x1BF5;
	[smem:$0x3FBB] =	sst s0  }
0x18: {  	s0 =	sld [smem:$0x3F9E];
	_ =	swait.ge [sflag:s4], $0x0  }
0x19: {  	s7 =	sld [smem:$0x3F9F]  }
0x1a: {  	s8 =	sadd.s32 $0xFFFFE003, lr  }
0x1b: {  	s9 =	sadd.s32 $0xFFFFFEF7, lr;
	s5 =	simm.s32 $0xFFFFFFFF;
	p2 =	slt.u32 s8, $0xFFFFF086  }
0x1c: {  	p1 =	slt.u32 s9, $0xF7A;
	s5 =	simm.s32 @!p2 $0x0  }
0x1d: {  	s5 =	simm.s32 @p1 $0x1;
	p0 =	seq.s32 s7, s2  }
0x1e: {  	s7 =	smul.u32 @!p0 $0xF7A, s2;
	p2 =	seq.s32 @!p0 s5, $0x0  }
0x1f: {  	s9 =	smul.u32 $0xF7A, s1;
	s8 =	simm.s32 @!p0 $0x1BF5;
	p2 =	por !p2, p0  }
0x20: {  	[sflag:s8] =	ssyncset.s32 @!p0 $0xFFFFF086;
	s6 =	sadd.s32 @!p0 s3, s7;
	s7 =	simm.s32 @!p0 $0x108  }
0x21: {  	s3 =	sadd.s32 s3, s9;
	s6 =	sadd.s32 @!p0 $0x88, s6;
	s7 =	simm.s32 @p2 $0x1082  }
0x22: {  	[simem:s7], [sflag:s8] =	dma.local @!p0 [hbm:s6], $0xF7A  }
0x23: {  	s9 =	sor.u32 $0xD0000000, s2;
	s6 =	simm.s32 $0x108;
	_ =	swait.ge @!p0 [sflag:s8], $0x0  }
0x24: {  	s3 =	sadd.s32 $0x88, s3;
	s6 =	simm.s32 @!p1 $0x1082;
	[sflag:s4] =	ssyncset.s32 $0xFFFFF086  }
0x25: {  	[simem:s6], [sflag:s4] =	dma.local [hbm:s3], $0xF7A  }
0x26: {  	[smem:$0x3F9F] =	sst s1;
	(tag) =	ssettag s2;
	_ =	strace s9  }
0x27: {  	s1 =	sld [smem:$0x3FAF]  }
0x28: {  	s2 =	sld [smem:$0x3FB0]  }
0x29: {  	s4 =	sld [smem:$0x3FB2]  }
0x2a: {  	p0 =	seq.s32 s5, $0x0;
	s5 =	sld [smem:$0x3FB3]  }
0x2b: {  	s6 =	sld [smem:$0x3FB4]  }
0x2c: {  	s7 =	sld [smem:$0x3FB5]  }
0x2d: {  	s3 =	simm.s32 $0x108;
	s8 =	sld [smem:$0x3FB6]  }
0x2e: {  	s3 =	simm.s32 @!p0 $0x1082;
	s9 =	sld [smem:$0x3FB7]  }
0x2f: {  	lr =	sadd.s32 s0, s3;
	s0 =	sld [smem:$0x3FAE]  }
0x30: {  	s3 =	sld [smem:$0x3FB1]  }
0x31: {  	[smem:$0x3FBA] =	sst s10  }
0x32: {  	s10 =	sld [smem:$0x3FB8];
	_ =	sdelay $0x3  }
0x33: {  	p0 =	seq.s32 s10, $0x1;
	s10 =	sld [smem:$0x3FBA];
	_ =	sdelay $0x3  }
0x34: {  	[smem:$0x3FBA] =	sst s10  }
0x35: {  	s10 =	sld [smem:$0x3FB9];
	_ =	sdelay $0x3  }
0x36: {  	p1 =	seq.s32 s10, $0x1;
	s10 =	sld [smem:$0x3FBA];
	_ =	sdelay $0x3  }
0x37: {  	[smem:$0x3FBA] =	sst s10  }
0x38: {  	s10 =	sld [smem:$0x3FBB]  }
0x39: {  	_ = 	snop;
	(pc) =	sbr.ind lr, $3  }
0x3a: {  	_ = 	snop  }
0x3b: {  	_ = 	snop  }
0x3c: {  	p2 =	seq.s32 s10, $0x1;
	s10 =	sld [smem:$0x3FBA]  }
0x3d: {  	_ =	shalt  }
0x3e: {  	_ =	shalt  }
0x3f: {  	_ =	shalt  }
0x40: {  	_ =	shalt  }
0x41: {  	_ =	shalt  }
0x42: {  	_ =	shalt  }
0x43: {  	_ =	shalt  }
0x44: {  	_ =	shalt  }
0x45: {  	_ =	shalt  }
0x46: {  	_ =	shalt  }
0x47: {  	_ =	shalt  }
0x48: {  	_ =	shalt  }
0x49: {  	_ =	shalt  }
0x4a: {  	_ =	shalt  }
0x4b: {  	_ =	shalt  }
0x4c: {  	_ =	shalt  }
0x4d: {  	_ =	shalt  }
0x4e: {  	_ =	shalt  }
0x4f: {  	_ =	shalt  }
0x50: {  	_ =	shalt  }
0x51: {  	_ =	shalt  }
0x52: {  	_ =	shalt  }
0x53: {  	_ =	shalt  }
0x54: {  	_ =	shalt  }
0x55: {  	_ =	shalt  }
0x56: {  	_ =	shalt  }
0x57: {  	_ =	shalt  }
0x58: {  	_ =	shalt  }
0x59: {  	_ =	shalt  }
0x5a: {  	_ =	shalt  }
0x5b: {  	_ =	shalt  }
0x5c: {  	_ =	shalt  }
0x5d: {  	_ =	shalt  }
0x5e: {  	_ =	shalt  }
0x5f: {  	_ =	shalt  }
0x60: {  	_ =	shalt  }
0x61: {  	_ =	shalt  }
0x62: {  	_ =	shalt  }
0x63: {  	_ =	shalt  }
0x64: {  	_ =	shalt  }
0x65: {  	_ =	shalt  }
0x66: {  	_ =	shalt  }
0x67: {  	_ =	shalt  }
0x68: {  	_ =	shalt  }
0x69: {  	_ =	shalt  }
0x6a: {  	_ =	shalt  }
0x6b: {  	_ =	shalt  }
0x6c: {  	_ =	shalt  }
0x6d: {  	_ =	shalt  }
0x6e: {  	_ =	shalt  }
0x6f: {  	_ =	shalt  }
0x70: {  	_ =	shalt  }
0x71: {  	_ =	shalt  }
0x72: {  	_ =	shalt  }
0x73: {  	_ =	shalt  }
0x74: {  	_ =	shalt  }
0x75: {  	_ =	shalt  }
0x76: {  	_ =	shalt  }
0x77: {  	_ =	shalt  }
0x78: {  	_ =	shalt  }
0x79: {  	_ =	shalt  }
0x7a: {  	_ =	shalt  }
0x7b: {  	_ =	shalt  }
0x7c: {  	_ =	shalt  }
0x7d: {  	_ =	shalt  }
0x7e: {  	_ =	shalt  }
0x7f: {  	_ =	shalt  }
0x80: {  	_ =	shalt  }
0x81: {  	_ =	shalt  }
0x82: {  	_ =	shalt  }
0x83: {  	_ =	shalt  }
0x84: {  	_ =	shalt  }
0x85: {  	_ =	shalt  }
0x86: {  	_ =	shalt  }
0x87: {  	_ =	shalt  }
.Lfunc_end0:
.L_simem_size_0:
called_computation.2_lowered:
.L_overlay_start_0:
0x88: {  	s2 =	sld [smem:$0x3FD9]  }
0x89: {  	s3 =	sld [smem:$0x3FFE];
	_ =	sdelay $0x1  }
0x8a: {  	s1 =	srdreg.scid  }
0x8b: {  	s0 =	sand.u32 $0x1, s1  }
0x8c: {  	s17 =	sshll.u32 s0, $0xA;
	s2 =	sadd.s32 s3, s2  }
0x8d: {  	s2 =	sadd.s32 s2, s17  }
0x8e: {  	[smem:$0x3FC6] =	sst s2  }
0x8f: {  	_ = 	snop  }
0x90: {  	s2 =	sld [smem:$0x3FD0];
	(tm) =	ssettm $0x1  }
0x91: {  	s18 =	sld [smem:$0x3FFB];
	_ =	sdelay $0x3  }
0x92: {  	_ =	strace s18  }
0x93: {  	s3 =	sld [smem:$0x3FFC];
	_ =	sdelay $0x3  }
0x94: {  	_ =	strace s3  }
0x95: {  	s3 =	sld [smem:$0x3FFD];
	_ =	sdelay $0x3  }
0x96: {  	_ =	strace s3  }
0x97: {  	_ =	strace $0x8FFFFFFF  }
0x98: {  	s19 =	sld [smem:$0x3FDB];
	_ =	sdelay $0x1  }
0x99: {  	s4 =	simm.s32 $_scs_section_size  }
0x9a: {  	s5 =	simm.s32 $_size__tile_overlayer_lowered;
	s6 =	simm.s32 $_tile_overlayer_lowered  }
0x9b: {  	s22 =	simm.s32 $0x1BFF;
	s21 =	sshll.u32 s6, $0x1;
	s3 =	sadd.s32 s4, s19  }
0x9c: {  	s7 =	simm.s32 $0x0;
	s20 =	sshll.u32 s5, $0x1;
	s5 =	sadd.s32 s21, s3  }
0x9d: {  	[timem:s7], [sflag:s22] =	dma.local [hbm:s5], s20  }
0x9e: {  	_ =	swait.ge [sflag:s22], s20  }
0x9f: {  	s4 =	ssub.s32 $0x0, s20;
	[sflag:s22] =	ssyncset.done $0x0  }
0xa0: {  	[sflag:s22] =	ssyncadd.s32 s4;
	_ =	sdelay $0x1  }
0xa1: {  	s23 =	simm.s32 $0x1B8B  }
0xa2: {  	_ =	swait.ge [sflag:s23], $0x1  }
0xa3: {  	[sflag:s23] =	ssyncset.done $0x0  }
0xa4: {  	s25 =	simm.s32 $0x1B8E;
	s24 =	sld [smem:$0x3FFE];
	[sflag:s23] =	ssyncadd.s32 $0xFFFFFFFF  }
0xa5: {  	s26 =	simm.s32 $execute0_lowered;
	[smem:$0x3FD2] =	sst s25  }
0xa6: {  	s5 =	sshll.u32 s26, $0x1;
	_ =	strace $0x80000046;
	[dreg:$0x1] =	wrdreg $0xFFFFFFFF  }
0xa7: {  	s28 =	simm.s32 $_size_execute0_lowered;
	s3 =	sadd.s32 s3, s5;
	[dreg:$0x0] =	wrdreg $0x0  }
0xa8: {  	s5 =	sshll.u32 s28, $0x1;
	[dreg:$0x2] =	wrdreg s3  }
0xa9: {  	[dreg:$0x3] =	wrdreg s5  }
0xaa: {  	[dreg:$0x4] =	wrdreg $0xC0  }
0xab: {  	_ =	task [dreg:s7], $0x5FFFF  }
0xac: {  	[dreg:$0x1] =	wrdreg $0xFFFFFFFF  }
0xad: {  	[dreg:$0x0] =	wrdreg $0x60  }
0xae: {  	[dreg:$0x2] =	wrdreg s24  }
0xaf: {  	[dreg:$0x3] =	wrdreg s2  }
0xb0: {  	[dreg:$0x4] =	wrdreg $0x9  }
0xb1: {  	_ =	task.clear_ibuf [dreg:s7], $0x5FFFF;
	_ =	strace $0x90000046  }
0xb2: {  	s29 =	simm.s32 $0x9;
	_ =	strace $0x80000048  }
0xb3: {  	_ =	swait.ge [sflag:s29], $0x1  }
0xb4: {  	[sflag:s29] =	ssyncadd.s32 $0xFFFFFFFF  }
0xb5: {  	_ =	strace $0x90000048  }
0xb6: {  	_ =	sfence  }
0xb7: {  	s30 =	sld [smem:$0x0];
	_ =	sdelay $0x2  }
0xb8: {  	s31 =	sshll.u32 s1, $0xD;
	s1 =	sshrl.u32 s1, $0x2  }
0xb9: {  	s3 =	sand.u32 $0x4000, s31;
	s1 =	sadd.s32 s1, s30  }
0xba: {  	s0 =	sor.u32 s3, s0;
	s1 =	sshll.u32 s1, $0x11  }
0xbb: {  	s0 =	sor.u32 s1, s0  }
0xbc: {  	s0 =	sadd.s32 $0x8F2B, s0  }
0xbd: {  	[sflag:s0] =	ssyncadd.remote.s32 $0x1  }
0xbe: {  	_ =	sfence.sel $0xFFFF  }
0xbf: {  	[dreg:$0x0] =	wrdreg $0xFFFFFFFF;
	(pc) =	sbr.abs _section_cstart, $3  }
0xc0: {  	[dreg:$0x1] =	wrdreg $0xFFFFFFFF  }
0xc1: {  	_ =	task.clear_ibuf [dreg:s7], $0x2FFFF;
	_ =	strace $0x9FFFFFFF  }
0xc2: {  	(tm) =	ssettm $0x7FFFFFFF  }
0xc3: {  	_ =	shalt  }
tec
execute0_lowered:
.L_overlay_start_1:
0x0: {  	(tag) =	ssettag $0x1  }
0x1: {  	s1 =	rddreg [dreg:$0x0];
	s2 =	srdreg.scid  }
0x2: {  	s0 =	stileid.u32;
	s9 =	rddreg [dreg:$0x1]  }
0x3: {  	s12 =	simm.s32 $0x7;
	s13 =	simm.s32 $0x280;
	s14 =	simm.s32 $0x6400  }
0x4: {  	s15 =	simm.s32 $0xB400;
	s16 =	simm.s32 $0x1;
	s17 =	simm.s32 $0x2  }
0x5: {  	s19 =	simm.s32 $0x10400;
	s20 =	simm.s32 $0x780;
	s21 =	simm.s32 $0x15400  }
0x6: {  	s22 =	simm.s32 $0x3;
	s23 =	simm.s32 $0x4;
	s28 =	simm.s32 $0x6  }
0x7: {  	s29 =	simm.s32 $0x5F00;
	s30 =	simm.s32 $0x0;
	s10 =	smul.u32 $0xC800, s0  }
0x8: {  	s7 =	sand.u32 $0x1, s2;
	s3 =	sshll.u32 s0, $0x1;
	s26 =	smul.u32 $0x32000, s0  }
0x9: {  	s2 =	simm.s32 $0x0;
	s3 =	sor.u32 s7, s3;
	s25 =	smul.u32 $0x6400, s7  }
0xa: {  	[smem:$0x7FF] =	sst s2;
	s5 =	ssub.s32 $0x2, s7;
	s11 =	smul.u32 $0x19000, s7  }
0xb: {  	s4 =	smul.u32 $0x6400, s3;
	_ =	strace $0x80000047;
	s8 =	sshrl.u32 s5, $0x1  }
0xc: {  	s6 =	smul.u32 $0x19000, s3;
	s3 =	sadd.s32 $0xF43200, s1;
	s24 =	ssub.s32 s5, s8  }
0xd: {  	s8 =	sadd.s32 s25, s10;
	s25 =	simm.s32 $0xA00;
	s4 =	sshrl.u32 s4, $0x3  }
0xe: {  	s5 =	smax.u32 s24, $0x1;
	s6 =	sadd.s32 s9, s6;
	s10 =	sshll.u32 s8, $0x2  }
0xf: {  	s24 =	simm.s32 $0x5;
	s4 =	sadd.s32 s4, s1;
	s7 =	sadd.s32 $0x1400, s6  }
0x10: {  	s1 =	sadd.s32 s26, s9;
	s8 =	sadd.s32 $0x16800, s6;
	s31 =	sadd.s32 s9, s10  }
0x11: {  	s9 =	sadd.s32 $0x17C00, s6;
	s26 =	simm.s32 $0xC80;
	s1 =	sadd.s32 s11, s1  }
0x12: {  	s4 =	sadd.s32 $0xE00, s4;
	s11 =	sadd.s32 $0x3C00, s31;
	s10 =	sadd.s32 $0x2800, s1  }
.LBB2_1:
0x13: {  	[tilespmem:s2], [sflag:$0x7] =	stream.linear.gather [hbm4b:s4+s2], $0x6400, $0x38;
	[tilespmem:$0x1A400] =	vst v63  }
0x14: {  	_ =	swait.ge [sflag:s12], $0x6400  }
0x15: {  	[sflag:s12] =	ssyncset.done $0x0  }
0x16: {  	[sflag:s12] =	ssyncadd.s32 $0xFFFF9C00  }
0x17: {  	[tilespmem:s14], [sflag:$0x1] =	stream.indirect.gather [hbm4b:s3+s13], $0x20, s2, s13, $0xb8;
	[tilespmem:$0x1A400] =	vst v63  }
0x18: {  	_ = 	snop  }
0x19: {  	[tilespmem:s15], [sflag:$0x2] =	stream.indirect.gather [hbm4b:s3+s13], $0x20, s13, s13, $0xb8;
	[tilespmem:$0x1A400] =	vst v63  }
0x1a: {  	_ =	swait.ge [sflag:s16], $0x5000  }
0x1b: {  	[sflag:s16] =	ssyncset.done $0x0  }
0x1c: {  	[sflag:s16] =	ssyncadd.s32 $0xFFFFB000  }
0x1d: {  	_ =	swait.ge [sflag:s17], $0x5000  }
0x1e: {  	[sflag:s17] =	ssyncset.done $0x0  }
0x1f: {  	s0 =	simm.s32 $0x500;
	[sflag:s17] =	ssyncadd.s32 $0xFFFFB000  }
0x20: {  	[tilespmem:s19], [sflag:$0x3] =	stream.indirect.gather [hbm4b:s3+s13], $0x20, s0, s13, $0xb8;
	[tilespmem:$0x1A400] =	vst v63  }
0x21: {  	_ = 	snop  }
0x22: {  	[tilespmem:s21], [sflag:$0x4] =	stream.indirect.gather [hbm4b:s3+s13], $0x20, s20, s13, $0xb8;
	[tilespmem:$0x1A400] =	vst v63  }
0x23: {  	_ = 	snop  }
0x24: {  	[hbm4b:s6+s2] =	stream.linear.scatter [tilespmem:s14], [sflag:$0x5], $0xA000, $0x38;
	[tilespmem:$0x1A400] =	vst v63  }
0x25: {  	_ =	swait.ge [sflag:s22], $0x5000  }
0x26: {  	[sflag:s22] =	ssyncset.done $0x0  }
0x27: {  	[sflag:s22] =	ssyncadd.s32 $0xFFFFB000  }
0x28: {  	_ =	swait.ge [sflag:s23], $0x5000  }
0x29: {  	[sflag:s23] =	ssyncset.done $0x0  }
0x2a: {  	[sflag:s23] =	ssyncadd.s32 $0xFFFFB000  }
0x2b: {  	_ =	swait.ge [sflag:s24], $0xA000  }
0x2c: {  	[sflag:s24] =	ssyncset.done $0x0  }
0x2d: {  	[sflag:s24] =	ssyncadd.s32 $0xFFFF6000  }
0x2e: {  	[tilespmem:s14], [sflag:$0x1] =	stream.indirect.gather [hbm4b:s3+s13], $0x20, s25, s13, $0xb8;
	[tilespmem:$0x1A400] =	vst v63  }
0x2f: {  	_ = 	snop  }
0x30: {  	[tilespmem:s15], [sflag:$0x2] =	stream.indirect.gather [hbm4b:s3+s13], $0x20, s26, s13, $0xb8;
	[tilespmem:$0x1A400] =	vst v63  }
0x31: {  	_ = 	snop  }
0x32: {  	[hbm4b:s7+s2] =	stream.linear.scatter [tilespmem:s19], [sflag:$0x6], $0xA000, $0x38;
	[tilespmem:$0x1A400] =	vst v63  }
0x33: {  	_ =	swait.ge [sflag:s16], $0x5000  }
0x34: {  	[sflag:s16] =	ssyncset.done $0x0  }
0x35: {  	[sflag:s16] =	ssyncadd.s32 $0xFFFFB000  }
0x36: {  	_ =	swait.ge [sflag:s17], $0x5000  }
0x37: {  	[sflag:s17] =	ssyncset.done $0x0  }
0x38: {  	[sflag:s17] =	ssyncadd.s32 $0xFFFFB000  }
0x39: {  	_ =	swait.ge [sflag:s28], $0xA000  }
0x3a: {  	[sflag:s28] =	ssyncset.done $0x0  }
0x3b: {  	s1 =	simm.s32 $0xF00;
	[sflag:s28] =	ssyncadd.s32 $0xFFFF6000  }
0x3c: {  	[tilespmem:s19], [sflag:$0x3] =	stream.indirect.gather [hbm4b:s3+s13], $0x20, s1, s13, $0xb8;
	[tilespmem:$0x1A400] =	vst v63  }
0x3d: {  	s0 =	simm.s32 $0x1180  }
0x3e: {  	[tilespmem:s21], [sflag:$0x4] =	stream.indirect.gather [hbm4b:s3+s13], $0x20, s0, s13, $0xb8;
	[tilespmem:$0x1A400] =	vst v63  }
0x3f: {  	s18 =	sadd.s32 $0x0, s10  }
0x40: {  	[hbm4b:s18+s2] =	stream.linear.scatter [tilespmem:s14], [sflag:$0x5], $0xA000, $0x38;
	[tilespmem:$0x1A400] =	vst v63  }
0x41: {  	_ =	swait.ge [sflag:s22], $0x5000  }
0x42: {  	[sflag:s22] =	ssyncset.done $0x0  }
0x43: {  	[sflag:s22] =	ssyncadd.s32 $0xFFFFB000  }
0x44: {  	_ =	swait.ge [sflag:s23], $0x5000  }
0x45: {  	[sflag:s23] =	ssyncset.done $0x0  }
0x46: {  	[sflag:s23] =	ssyncadd.s32 $0xFFFFB000  }
0x47: {  	_ =	swait.ge [sflag:s24], $0xA000  }
0x48: {  	[sflag:s24] =	ssyncset.done $0x0  }
0x49: {  	s0 =	simm.s32 $0x1400;
	[sflag:s24] =	ssyncadd.s32 $0xFFFF6000  }
0x4a: {  	[tilespmem:s14], [sflag:$0x1] =	stream.indirect.gather [hbm4b:s3+s13], $0x20, s0, s13, $0xb8;
	[tilespmem:$0x1A400] =	vst v63  }
0x4b: {  	s31 =	simm.s32 $0x2800;
	s1 =	sadd.s32 $0x0, s11;
	s18 =	simm.s32 $0x1680  }
0x4c: {  	[tilespmem:s15], [sflag:$0x2] =	stream.indirect.gather [hbm4b:s3+s13], $0x20, s18, s13, $0xb8;
	[tilespmem:$0x1A400] =	vst v63  }
.LBB2_2:
0x4d: {  	[hbm4b:s1+s2] =	stream.linear.scatter [tilespmem:s19], [sflag:$0x6], $0xA000, $0x38;
	[tilespmem:$0x1A400] =	vst v63  }
0x4e: {  	s1 =	smov.u32 s31;
	s31 =	sadd.s32 $0x2800, s31;
	_ =	swait.ge [sflag:s16], $0x5000  }
0x4f: {  	p0 =	sne.s32 s31, $0x14000;
	[sflag:s16] =	ssyncset.done $0x0  }
0x50: {  	[sflag:s16] =	ssyncadd.s32 $0xFFFFB000  }
0x51: {  	_ =	swait.ge [sflag:s17], $0x5000  }
0x52: {  	[sflag:s17] =	ssyncset.done $0x0  }
0x53: {  	[sflag:s17] =	ssyncadd.s32 $0xFFFFB000  }
0x54: {  	_ =	swait.ge [sflag:s28], $0xA000  }
0x55: {  	s0 =	sshra.s32 s1, $0x2;
	[sflag:s28] =	ssyncset.done $0x0  }
0x56: {  	s18 =	sadd.s32 $0xF00, s0;
	[sflag:s28] =	ssyncadd.s32 $0xFFFF6000  }
0x57: {  	[tilespmem:s19], [sflag:$0x3] =	stream.indirect.gather [hbm4b:s3+s13], $0x20, s18, s13, $0xb8;
	[tilespmem:$0x1A400] =	vst v63  }
0x58: {  	s18 =	sadd.s32 $0x1180, s0  }
0x59: {  	[tilespmem:s21], [sflag:$0x4] =	stream.indirect.gather [hbm4b:s3+s13], $0x20, s18, s13, $0xb8;
	[tilespmem:$0x1A400] =	vst v63  }
0x5a: {  	s18 =	sadd.s32 s1, s10  }
0x5b: {  	[hbm4b:s18+s2] =	stream.linear.scatter [tilespmem:s14], [sflag:$0x5], $0xA000, $0x38;
	[tilespmem:$0x1A400] =	vst v63  }
0x5c: {  	_ =	swait.ge [sflag:s22], $0x5000  }
0x5d: {  	[sflag:s22] =	ssyncset.done $0x0  }
0x5e: {  	[sflag:s22] =	ssyncadd.s32 $0xFFFFB000  }
0x5f: {  	_ =	swait.ge [sflag:s23], $0x5000  }
0x60: {  	[sflag:s23] =	ssyncset.done $0x0  }
0x61: {  	[sflag:s23] =	ssyncadd.s32 $0xFFFFB000  }
0x62: {  	_ =	swait.ge [sflag:s24], $0xA000  }
0x63: {  	[sflag:s24] =	ssyncset.done $0x0  }
.Ltmp0:
0x64: {  	s18 =	sadd.s32 $0x1400, s0;
	[sflag:s24] =	ssyncadd.s32 $0xFFFF6000;
	(pc) =	sbr.rel @p0 .LBB2_2-.Ltmp0, $4  }
0x65: {  	[tilespmem:s14], [sflag:$0x1] =	stream.indirect.gather [hbm4b:s3+s13], $0x20, s18, s13, $0xb8;
	[tilespmem:$0x1A400] =	vst v63  }
0x66: {  	s0 =	sadd.s32 $0x1680, s0  }
0x67: {  	[tilespmem:s15], [sflag:$0x2] =	stream.indirect.gather [hbm4b:s3+s13], $0x20, s0, s13, $0xb8;
	[tilespmem:$0x1A400] =	vst v63  }
0x68: {  	s1 =	sadd.s32 s1, s11  }
0x69: {  	[hbm4b:s1+s2] =	stream.linear.scatter [tilespmem:s19], [sflag:$0x6], $0xA000, $0x38;
	[tilespmem:$0x1A400] =	vst v63  }
0x6a: {  	_ =	swait.ge [sflag:s16], $0x5000  }
0x6b: {  	[sflag:s16] =	ssyncset.done $0x0  }
0x6c: {  	[sflag:s16] =	ssyncadd.s32 $0xFFFFB000  }
0x6d: {  	_ =	swait.ge [sflag:s17], $0x5000  }
0x6e: {  	[sflag:s17] =	ssyncset.done $0x0  }
0x6f: {  	[sflag:s17] =	ssyncadd.s32 $0xFFFFB000  }
0x70: {  	_ =	swait.ge [sflag:s28], $0xA000  }
0x71: {  	[sflag:s28] =	ssyncset.done $0x0  }
0x72: {  	s0 =	sshra.s32 s31, $0x2;
	[sflag:s28] =	ssyncadd.s32 $0xFFFF6000  }
0x73: {  	[tilespmem:s19], [sflag:$0x3] =	stream.indirect.gather [hbm4b:s3+s13], $0x20, s29, s13, $0xb8;
	[tilespmem:$0x1A400] =	vst v63  }
0x74: {  	s0 =	sadd.s32 $0x1180, s0  }
0x75: {  	[tilespmem:s21], [sflag:$0x4] =	stream.indirect.gather [hbm4b:s3+s13], $0x20, s0, s13, $0xb8;
	[tilespmem:$0x1A400] =	vst v63  }
0x76: {  	_ = 	snop  }
0x77: {  	[hbm4b:s8+s2] =	stream.linear.scatter [tilespmem:s14], [sflag:$0x5], $0xA000, $0x38;
	[tilespmem:$0x1A400] =	vst v63  }
0x78: {  	_ =	swait.ge [sflag:s22], $0x5000  }
0x79: {  	[sflag:s22] =	ssyncset.done $0x0  }
0x7a: {  	[sflag:s22] =	ssyncadd.s32 $0xFFFFB000  }
0x7b: {  	_ =	swait.ge [sflag:s23], $0x5000  }
0x7c: {  	[sflag:s23] =	ssyncset.done $0x0  }
0x7d: {  	[sflag:s23] =	ssyncadd.s32 $0xFFFFB000  }
0x7e: {  	s30 =	sadd.s32 $0x1, s30;
	_ =	swait.ge [sflag:s24], $0xA000  }
0x7f: {  	p0 =	sne.s32 s30, s5;
	[sflag:s24] =	ssyncset.done $0x0  }
.Ltmp1:
0x80: {  	[sflag:s24] =	ssyncadd.s32 $0xFFFF6000;
	(pc) =	sbr.rel @p0 .LBB2_1-.Ltmp1, $4  }
0x81: {  	[hbm4b:s9+s2] =	stream.linear.scatter [tilespmem:s19], [sflag:$0x6], $0xA000, $0x38;
	[tilespmem:$0x1A400] =	vst v63  }
0x82: {  	_ =	swait.ge [sflag:s28], $0xA000  }
0x83: {  	[sflag:s28] =	ssyncset.done $0x0  }
0x84: {  	[sflag:s28] =	ssyncadd.s32 $0xFFFF6000  }
0x85: {  	_ =	sfence.sel $0x180000  }
0x86: {  	[bflag:$0x0] =	sbarrier.arrive $0xFFFF  }
0x87: {  	_ =	strace $0x90000047  }
0x88: {  	s0 =	stileid.u32;
	[bflag:$0x2] =	sbarrier.arrive $0xFFFF  }
0x89: {  	p0 =	sne.s32 s0, $0x0;
	s0 =	rddreg [dreg:$0x2]  }
0x8a: {  	s0 =	sadd.s32 @!p0 $0x100000, s0  }
0x8b: {  	[sflag:s0] =	ssyncadd.tile.s32 @!p0 $0x1;
	_ =	shalt  }
.Lfunc_end2:
_tile_overlayer_lowered:
.L_overlay_start_2:
0x8c: {  	(tag) =	ssettag $0x2  }
0x8d: {  	s0 =	rddreg [dreg:$0x0];
	s2 =	stileid.u32  }
0x8e: {  	s1 =	rddreg [dreg:$0x1];
	p0 =	sne.s32 s2, $0x0  }
0x8f: {  	s3 =	rddreg [dreg:$0x2];
	[bflag:$0x3] =	sbarrier.arrive $0xFFFF;
	s2 =	simm.s32 @!p0 $0x1C07  }
0x90: {  	[timem:s3], [sflag:s2] =	dma.local @!p0 [hbm:s0], s1  }
0x91: {  	s0 =	simm.s32 @!p0 $0x7  }
0x92: {  	_ =	swait.ge @!p0 [sflag:s0], s1  }
0x93: {  	s1 =	ssub.s32 @!p0 $0x0, s1;
	[sflag:s0] =	ssyncset.done @!p0 $0x0  }
0x94: {  	[sflag:s0] =	ssyncadd.s32 @!p0 s1  }
0x95: {  	[bflag:$0x3] =	sbarrier.arrive $0xFFFF  }
0x96: {  	_ =	shalt  }

// kernel: sparse-core-data-format-call.1.cloned.1.call-start
scs
called_computation.1_lowered:
.L_overlay_start_0:
0x0: {  	s2 =	sld [smem:$0x3FD9]  }
0x1: {  	s3 =	sld [smem:$0x3FFE];
	_ =	sdelay $0x1  }
0x2: {  	s1 =	srdreg.scid  }
0x3: {  	s0 =	sand.u32 $0x1, s1  }
0x4: {  	s18 =	sshll.u32 s0, $0xA;
	s2 =	sadd.s32 s3, s2  }
0x5: {  	s2 =	sadd.s32 s2, s18  }
0x6: {  	[smem:$0x3FC6] =	sst s2  }
0x7: {  	_ = 	snop  }
0x8: {  	s2 =	sld [smem:$0x3FD0];
	(tm) =	ssettm $0x1  }
0x9: {  	s19 =	sld [smem:$0x3FFB];
	_ =	sdelay $0x3  }
0xa: {  	_ =	strace s19  }
0xb: {  	s3 =	sld [smem:$0x3FFC];
	_ =	sdelay $0x3  }
0xc: {  	_ =	strace s3  }
0xd: {  	s3 =	sld [smem:$0x3FFD];
	_ =	sdelay $0x3  }
0xe: {  	_ =	strace s3  }
0xf: {  	_ =	strace $0x8FFFFFFF  }
0x10: {  	s20 =	sld [smem:$0x3FDB];
	_ =	sdelay $0x1  }
0x11: {  	s4 =	simm.s32 $_scs_section_size  }
0x12: {  	s5 =	simm.s32 $_size__tile_overlayer_lowered;
	s6 =	simm.s32 $_tile_overlayer_lowered  }
0x13: {  	s23 =	simm.s32 $0x1BFF;
	s22 =	sshll.u32 s6, $0x1;
	s3 =	sadd.s32 s4, s20  }
0x14: {  	s7 =	simm.s32 $0x0;
	s21 =	sshll.u32 s5, $0x1;
	s5 =	sadd.s32 s22, s3  }
0x15: {  	[timem:s7], [sflag:s23] =	dma.local [hbm:s5], s21  }
0x16: {  	_ =	swait.ge [sflag:s23], s21  }
0x17: {  	s4 =	ssub.s32 $0x0, s21;
	[sflag:s23] =	ssyncset.done $0x0  }
0x18: {  	[sflag:s23] =	ssyncadd.s32 s4;
	_ =	sdelay $0x1  }
0x19: {  	s24 =	simm.s32 $0x1B8B  }
0x1a: {  	_ =	swait.ge [sflag:s24], $0x1  }
0x1b: {  	[sflag:s24] =	ssyncset.done $0x0  }
0x1c: {  	s26 =	simm.s32 $0x1B8E;
	s25 =	sld [smem:$0x3FFE];
	[sflag:s24] =	ssyncadd.s32 $0xFFFFFFFF  }
0x1d: {  	s27 =	simm.s32 $execute0_lowered;
	[smem:$0x3FD2] =	sst s26  }
0x1e: {  	s5 =	sshll.u32 s27, $0x1;
	_ =	strace $0x80000049;
	[dreg:$0x1] =	wrdreg $0xFFFFFFFF  }
0x1f: {  	s28 =	simm.s32 $_size_execute0_lowered;
	s3 =	sadd.s32 s3, s5;
	[dreg:$0x0] =	wrdreg $0x0  }
0x20: {  	s5 =	sshll.u32 s28, $0x1;
	[dreg:$0x2] =	wrdreg s3  }
0x21: {  	[dreg:$0x3] =	wrdreg s5  }
0x22: {  	[dreg:$0x4] =	wrdreg $0xC0  }
0x23: {  	_ =	task [dreg:s7], $0x5FFFF  }
0x24: {  	[dreg:$0x1] =	wrdreg $0xFFFFFFFF  }
0x25: {  	[dreg:$0x0] =	wrdreg $0x60  }
0x26: {  	[dreg:$0x2] =	wrdreg s25  }
0x27: {  	[dreg:$0x3] =	wrdreg s2  }
0x28: {  	[dreg:$0x4] =	wrdreg $0x9  }
0x29: {  	_ =	task.clear_ibuf [dreg:s7], $0x5FFFF;
	_ =	strace $0x90000049  }
0x2a: {  	s29 =	simm.s32 $0x9;
	_ =	strace $0x8000004B  }
0x2b: {  	_ =	swait.ge [sflag:s29], $0x1  }
0x2c: {  	[sflag:s29] =	ssyncadd.s32 $0xFFFFFFFF  }
0x2d: {  	_ =	strace $0x9000004B  }
0x2e: {  	_ =	sfence  }
0x2f: {  	s30 =	sld [smem:$0x0];
	_ =	sdelay $0x2  }
0x30: {  	s31 =	sshll.u32 s1, $0xD;
	s1 =	sshrl.u32 s1, $0x2  }
0x31: {  	s3 =	sand.u32 $0x4000, s31;
	s1 =	sadd.s32 s1, s30  }
0x32: {  	s0 =	sor.u32 s3, s0;
	s1 =	sshll.u32 s1, $0x11  }
0x33: {  	s0 =	sor.u32 s1, s0  }
0x34: {  	s0 =	sadd.s32 $0x8F2B, s0  }
0x35: {  	[sflag:s0] =	ssyncadd.remote.s32 $0x1  }
0x36: {  	_ =	sfence.sel $0xFFFF  }
0x37: {  	[dreg:$0x0] =	wrdreg $0xFFFFFFFF;
	(pc) =	sbr.abs _section_cstart, $3  }
0x38: {  	[dreg:$0x1] =	wrdreg $0xFFFFFFFF  }
0x39: {  	_ =	task.clear_ibuf [dreg:s7], $0x2FFFF;
	_ =	strace $0x9FFFFFFF  }
0x3a: {  	(tm) =	ssettm $0x7FFFFFFF  }
0x3b: {  	_ =	shalt  }
tec
execute0_lowered:
.L_overlay_start_1:
0x0: {  	(tag) =	ssettag $0x1  }
0x1: {  	s0 =	srdreg.scid  }
0x2: {  	s1 =	sshll.u32 s0, $0x4  }
0x3: {  	s4 =	rddreg [dreg:$0x0];
	s0 =	stileid.u32;
	s1 =	sand.u32 $0x10, s1  }
0x4: {  	s2 =	rddreg [dreg:$0x1];
	s7 =	simm.s32 $0x1;
	s1 =	sor.u32 s0, s1  }
0x5: {  	s8 =	simm.s32 $0x2;
	s11 =	simm.s32 $0x0;
	s3 =	sshll.u32 s1, $0x7  }
0x6: {  	s10 =	simm.s32 $0x0;
	s4 =	sadd.s32 $0xE00, s4;
	s6 =	ssub.s32 $0xC8000, s3  }
.Ltmp0:
0x7: {  	s1 =	rddreg [dreg:$0x2];
	s5 =	sand.u32 $0xF80, s6;
	(pc) =	sbr.rel .LBB1_1-.Ltmp0, $4  }
0x8: {  	_ =	strace $0x8000004A;
	s9 =	smov.u32 s3;
	p0 =	sne.s32 s5, $0x0  }
0x9: {  	s6 =	sshrl.u32 s6, $0xC;
	s5 =	simm.s32 $0x1;
	s7 =	simm.s32 @!p0 $0x0  }
0xa: {  	[sflag:s5] =	ssyncpa.u1 $0x0;
	p0 =	por $0x0, $0x0;
	s6 =	sadd.s32 s7, s6  }
0xb: {  	[sflag:s8] =	ssyncpa.u1 $0x0;
	s8 =	simm.s32 $0x640000;
	s7 =	sadd.s32 $0x1, s6  }
.LBB1_4:
0xc: {  	s14 =	sshll.u32 s11, $0x3  }
0xd: {  	s30 =	sand.u32 $0x7F, s11;
	s15 =	sand.u32 $0xFFFFFC00, s14  }
0xe: {  	s11 =	sor.u32 s30, s15  }
0xf: {  	s15 =	smulhi.u32 $0x51EB851F, s11  }
0x10: {  	s14 =	smulhi.u32 $0x51EB851F, s14  }
0x11: {  	s15 =	sshrl.u32 s15, $0x12  }
0x12: {  	s14 =	sshrl.u32 s14, $0x12;
	s15 =	smul.u32 $0xC8000, s15  }
0x13: {  	s14 =	sand.u32 $0x1F, s14  }
0x14: {  	s14 =	smul.u32 $0x19000, s14;
	s11 =	ssub.s32 s11, s15  }
0x15: {  	s15 =	sand.u32 $0x7, s11  }
0x16: {  	s14 =	sadd.s32 s2, s14;
	s11 =	sshrl.u32 s11, $0x3;
	s15 =	sshll.u32 s15, $0x12  }
0x17: {  	[tilespmem:s13+$0x0 ss:$0x81] =	vst.msk $0xffff, v0;
	s11 =	sadd.s32 s11, s14;
	s31 =	sor.u32 $0x400, s15  }
0x18: {  	[hbm4b:s11+s31] =	stream.strided.scatter [tilespmem:s12], [sflag:$0x2], $0x1000, s8, s31, $0x20;
	[tilespmem:$0x4040] =	vst v63  }
.LBB1_5:
0x19: {  	s13 =	sadd.s32 $0x1000, s9  }
0x1a: {  	p2 =	sgt.s32 s13, $0xC7FFF  }
0x1b: {  	s13 =	smov.u32 @p2 s3;
	p2 =	sne.s32 s10, s7  }
.Ltmp1:
0x1c: {  	p1 =	slt.u32 s10, $0x2;
	(pc) =	sbr.rel @!p2 .LBB1_6-.Ltmp1, $4  }
0x1d: {  	s12 =	simm.s32 @!p1 $0x2  }
0x1e: {  	s14 =	sadd.s32 $0x1, s10;
	_ =	swait.ge @!p1 [sflag:s12], $0x1000  }
0x1f: {  	s11 =	smov.u32 s9;
	p0 =	por !p0, !p0;
	[sflag:s12] =	ssyncset.done @!p1 $0x0  }
0x20: {  	s10 =	smov.u32 s14;
	s9 =	smov.u32 s13;
	[sflag:s12] =	ssyncadd.s32 @!p1 $0xFFFFF000  }
.LBB1_1:
0x21: {  	p1 =	sge.u32 s10, s6  }
0x22: {  	s12 =	sand.u32 @!p1 $0x1FFFFFF, s9  }
0x23: {  	s13 =	smulhi.u32 @!p1 $0x147AE15, s12;
	_ =	sdelay $0x1  }
0x24: {  	s13 =	sshrl.u32 @!p1 s13, $0xC  }
0x25: {  	s13 =	smul.u32 @!p1 $0xC8000, s13;
	_ =	sdelay $0x1  }
0x26: {  	s31 =	sadd.s32 $0xFFFFFFFF, s10;
	s14 =	sxor.u32 @!p1 $0xFFFFFFFF, s10;
	s12 =	ssub.s32 @!p1 s12, s13  }
0x27: {  	s15 =	simm.s32 @!p1 $0x80;
	s14 =	sshll.u32 @!p1 s14, $0xC;
	s12 =	sshll.u32 @!p1 s12, $0x4  }
0x28: {  	s13 =	sand.u32 @!p1 $0x1000, s14;
	s14 =	simm.s32 @!p1 $0x20;
	s12 =	sadd.s32 @!p1 s4, s12  }
0x29: {  	[tilespmem:s13], [sflag:$0x1] =	stream.strided.gather @!p1 [hbm4b:s12+s14], $0x1000, s15, s14, $0x38;
	[tilespmem:$0x4040] =	vst v63  }
0x2a: {  	p1 =	sge.u32 s31, s6  }
.Ltmp2:
0x2b: {  	_ = 	snop;
	(pc) =	sbr.rel @p1 .LBB1_5-.Ltmp2, $1  }
0x2c: {  	_ =	sdelay $0x3  }
0x2d: {  	s12 =	simm.s32 $0x1  }
0x2e: {  	_ =	swait.ge [sflag:s5], $0x1000;
	s12 =	simm.s32 @!p0 $0x0  }
0x2f: {  	[sflag:s5] =	ssyncset.done $0x0;
	s13 =	sshll.u32 s12, $0xC  }
0x30: {  	[sflag:s5] =	ssyncadd.s32 $0xFFFFF000;
	s16 =	sor.u32 $0x10, s13  }
0x31: {  	s12 =	smul.u32 $0x4080, s12;
	v1 =	vld [tilespmem:s16+$0x0]  }
0x32: {  	s30 =	sand.u32 $0x1, s10;
	v0 =	vld [tilespmem:s16+$0xFFFFFFF0]  }
0x33: {  	s13 =	smul.u32 $0x4080, s30;
	s12 =	sshrl.u32 s12, $0x2  }
0x34: {  	s14 =	sor.u32 $0x2000, s12  }
0x35: {  	s31 =	sshrl.u32 s13, $0x2;
	s13 =	sadd.s32 $0x0, s14  }
0x36: {  	s15 =	simm.s32 $0x4;
	s16 =	sadd.s32 $0x20, s16;
	s12 =	sor.u32 $0x2000, s31;
	[tilespmem:s13+$0x810 ss:$0x81] =	vst.msk $0xffff, v1  }
.LBB1_3:
0x37: {  	v1 =	vld [tilespmem:s16+$0x0];
	p1 =	sne.s32 s15, $0x1FC;
	[tilespmem:s13+$0x0 ss:$0x81] =	vst.msk $0xffff, v0;
	s13 =	smov.u32 s15;
	s15 =	sadd.s32 $0x4, s15  }
.Ltmp3:
0x38: {  	v0 =	vld [tilespmem:s16+$0xFFFFFFF0];
	(pc) =	sbr.rel @p1 .LBB1_3-.Ltmp3, $4  }
0x39: {  	_ = 	snop  }
0x3a: {  	s13 =	sshra.s32 s13, $0x2  }
0x3b: {  	s13 =	sadd.s32 s13, s14  }
0x3c: {  	s16 =	sadd.s32 $0x20, s16;
	[tilespmem:s13+$0x810 ss:$0x81] =	vst.msk $0xffff, v1  }
.Ltmp4:
0x3d: {  	_ = 	snop;
	(pc) =	sbr.rel .LBB1_4-.Ltmp4, $1  }
0x3e: {  	_ =	sdelay $0x3  }
.LBB1_6:
0x3f: {  	_ =	sfence.sel $0x180000  }
0x40: {  	s2 =	simm.s32 $0x1;
	[bflag:$0x0] =	sbarrier.arrive $0xFFFF  }
0x41: {  	s31 =	simm.s32 $0x2;
	[sflag:s2] =	ssyncpa.u1 $0x1  }
0x42: {  	[sflag:s31] =	ssyncpa.u1 $0x1  }
0x43: {  	p0 =	sne.s32 s0, $0x0;
	_ =	strace $0x9000004A  }
0x44: {  	s0 =	sadd.s32 @!p0 $0x100000, s1;
	[bflag:$0x2] =	sbarrier.arrive $0xFFFF  }
0x45: {  	[sflag:s0] =	ssyncadd.tile.s32 @!p0 $0x1;
	_ =	shalt  }
.Lfunc_end1:
_tile_overlayer_lowered:
.L_overlay_start_2:
0x46: {  	(tag) =	ssettag $0x2  }
0x47: {  	s0 =	rddreg [dreg:$0x0];
	s2 =	stileid.u32  }
0x48: {  	s1 =	rddreg [dreg:$0x1];
	p0 =	sne.s32 s2, $0x0  }
0x49: {  	s3 =	rddreg [dreg:$0x2];
	[bflag:$0x3] =	sbarrier.arrive $0xFFFF;
	s2 =	simm.s32 @!p0 $0x1C01  }
0x4a: {  	[timem:s3], [sflag:s2] =	dma.local @!p0 [hbm:s0], s1  }
0x4b: {  	s0 =	simm.s32 @!p0 $0x1  }
0x4c: {  	_ =	swait.ge @!p0 [sflag:s0], s1  }
0x4d: {  	s1 =	ssub.s32 @!p0 $0x0, s1;
	[sflag:s0] =	ssyncset.done @!p0 $0x0  }
0x4e: {  	[sflag:s0] =	ssyncadd.s32 @!p0 s1  }
0x4f: {  	[bflag:$0x3] =	sbarrier.arrive $0xFFFF  }
0x50: {  	_ =	shalt  }

// kernel: sparse-core-data-format-call.cloned.1.call-start
scs
called_computation_lowered:
.L_overlay_start_0:
0x0: {  	s2 =	sld [smem:$0x3FD9]  }
0x1: {  	s3 =	sld [smem:$0x3FFE];
	_ =	sdelay $0x1  }
0x2: {  	s1 =	srdreg.scid  }
0x3: {  	s0 =	sand.u32 $0x1, s1  }
0x4: {  	s18 =	sshll.u32 s0, $0xA;
	s2 =	sadd.s32 s3, s2  }
0x5: {  	s2 =	sadd.s32 s2, s18  }
0x6: {  	[smem:$0x3FC6] =	sst s2  }
0x7: {  	_ = 	snop  }
0x8: {  	s2 =	sld [smem:$0x3FD0];
	(tm) =	ssettm $0x1  }
0x9: {  	s19 =	sld [smem:$0x3FFB];
	_ =	sdelay $0x3  }
0xa: {  	_ =	strace s19  }
0xb: {  	s3 =	sld [smem:$0x3FFC];
	_ =	sdelay $0x3  }
0xc: {  	_ =	strace s3  }
0xd: {  	s3 =	sld [smem:$0x3FFD];
	_ =	sdelay $0x3  }
0xe: {  	_ =	strace s3  }
0xf: {  	_ =	strace $0x8FFFFFFF  }
0x10: {  	s20 =	sld [smem:$0x3FDB];
	_ =	sdelay $0x1  }
0x11: {  	s4 =	simm.s32 $_scs_section_size  }
0x12: {  	s5 =	simm.s32 $_size__tile_overlayer_lowered;
	s6 =	simm.s32 $_tile_overlayer_lowered  }
0x13: {  	s23 =	simm.s32 $0x1BFF;
	s22 =	sshll.u32 s6, $0x1;
	s3 =	sadd.s32 s4, s20  }
0x14: {  	s7 =	simm.s32 $0x0;
	s21 =	sshll.u32 s5, $0x1;
	s5 =	sadd.s32 s22, s3  }
0x15: {  	[timem:s7], [sflag:s23] =	dma.local [hbm:s5], s21  }
0x16: {  	_ =	swait.ge [sflag:s23], s21  }
0x17: {  	s4 =	ssub.s32 $0x0, s21;
	[sflag:s23] =	ssyncset.done $0x0  }
0x18: {  	[sflag:s23] =	ssyncadd.s32 s4;
	_ =	sdelay $0x1  }
0x19: {  	s24 =	simm.s32 $0x1B8B  }
0x1a: {  	_ =	swait.ge [sflag:s24], $0x1  }
0x1b: {  	[sflag:s24] =	ssyncset.done $0x0  }
0x1c: {  	s26 =	simm.s32 $0x1B8E;
	s25 =	sld [smem:$0x3FFE];
	[sflag:s24] =	ssyncadd.s32 $0xFFFFFFFF  }
0x1d: {  	s27 =	simm.s32 $execute0_lowered;
	[smem:$0x3FD2] =	sst s26  }
0x1e: {  	s5 =	sshll.u32 s27, $0x1;
	_ =	strace $0x8000004C;
	[dreg:$0x1] =	wrdreg $0xFFFFFFFF  }
0x1f: {  	s28 =	simm.s32 $_size_execute0_lowered;
	s3 =	sadd.s32 s3, s5;
	[dreg:$0x0] =	wrdreg $0x0  }
0x20: {  	s5 =	sshll.u32 s28, $0x1;
	[dreg:$0x2] =	wrdreg s3  }
0x21: {  	[dreg:$0x3] =	wrdreg s5  }
0x22: {  	[dreg:$0x4] =	wrdreg $0xC0  }
0x23: {  	_ =	task [dreg:s7], $0x5FFFF  }
0x24: {  	[dreg:$0x1] =	wrdreg $0xFFFFFFFF  }
0x25: {  	[dreg:$0x0] =	wrdreg $0x60  }
0x26: {  	[dreg:$0x2] =	wrdreg s25  }
0x27: {  	[dreg:$0x3] =	wrdreg s2  }
0x28: {  	[dreg:$0x4] =	wrdreg $0x9  }
0x29: {  	_ =	task.clear_ibuf [dreg:s7], $0x5FFFF;
	_ =	strace $0x9000004C  }
0x2a: {  	s29 =	simm.s32 $0x9;
	_ =	strace $0x8000004E  }
0x2b: {  	_ =	swait.ge [sflag:s29], $0x1  }
0x2c: {  	[sflag:s29] =	ssyncadd.s32 $0xFFFFFFFF  }
0x2d: {  	_ =	strace $0x9000004E  }
0x2e: {  	_ =	sfence  }
0x2f: {  	s30 =	sld [smem:$0x0];
	_ =	sdelay $0x2  }
0x30: {  	s31 =	sshll.u32 s1, $0xD;
	s1 =	sshrl.u32 s1, $0x2  }
0x31: {  	s3 =	sand.u32 $0x4000, s31;
	s1 =	sadd.s32 s1, s30  }
0x32: {  	s0 =	sor.u32 s3, s0;
	s1 =	sshll.u32 s1, $0x11  }
0x33: {  	s0 =	sor.u32 s1, s0  }
0x34: {  	s0 =	sadd.s32 $0x8F2B, s0  }
0x35: {  	[sflag:s0] =	ssyncadd.remote.s32 $0x1  }
0x36: {  	_ =	sfence.sel $0xFFFF  }
0x37: {  	[dreg:$0x0] =	wrdreg $0xFFFFFFFF;
	(pc) =	sbr.abs _section_cstart, $3  }
0x38: {  	[dreg:$0x1] =	wrdreg $0xFFFFFFFF  }
0x39: {  	_ =	task.clear_ibuf [dreg:s7], $0x2FFFF;
	_ =	strace $0x9FFFFFFF  }
0x3a: {  	(tm) =	ssettm $0x7FFFFFFF  }
0x3b: {  	_ =	shalt  }
tec
execute0_lowered:
.L_overlay_start_1:
0x0: {  	(tag) =	ssettag $0x1  }
0x1: {  	s8 =	rddreg [dreg:$0x0]  }
0x2: {  	s2 =	rddreg [dreg:$0x1];
	s1 =	stileid.u32  }
0x3: {  	s4 =	srdreg.scid;
	s0 =	rddreg [dreg:$0x2];
	_ =	strace $0x8000004D  }
0x4: {  	s9 =	simm.s32 $0x1;
	s31 =	simm.s32 $0x2;
	s16 =	simm.s32 $0x0  }
0x5: {  	s17 =	simm.s32 $0x0;
	s11 =	simm.s32 $0x0;
	s12 =	simm.s32 $0x0  }
0x6: {  	s15 =	simm.s32 $0x0;
	s3 =	sshll.u32 s1, $0x1;
	s4 =	sshll.u32 s4, $0x7  }
0x7: {  	s4 =	sand.u32 $0x80, s4;
	s5 =	ssub.s32 $0x20, s3;
	s14 =	smov.u32 s3  }
0x8: {  	s6 =	sshrl.u32 s5, $0x5;
	s5 =	sand.u32 $0x1E, s5;
	s7 =	ssub.s32 $0x4000, s4  }
0x9: {  	p0 =	sne.s32 s5, $0x0;
	s30 =	sshrl.u32 s7, $0x7;
	s7 =	sshrl.u32 s7, $0x8  }
.Ltmp0:
0xa: {  	s9 =	simm.s32 @!p0 $0x0;
	s10 =	sand.u32 $0x1, s30;
	(pc) =	sbr.rel .LBB1_1-.Ltmp0, $4  }
0xb: {  	s5 =	simm.s32 $0x1;
	s6 =	sadd.s32 s9, s6;
	s7 =	sadd.s32 s7, s10  }
0xc: {  	s13 =	smov.u32 s4;
	[sflag:s5] =	ssyncpa.u1 $0x0;
	s6 =	smul.u32 s6, s7  }
0xd: {  	p0 =	por $0x0, $0x0;
	[sflag:s31] =	ssyncpa.u1 $0x0;
	s10 =	simm.s32 $0x80000  }
0xe: {  	s7 =	sadd.s32 $0xE00, s8;
	s8 =	sadd.s32 $0x40E00, s8;
	s9 =	sadd.s32 $0x1, s6  }
.LBB1_7:
0xf: {  	p1 =	slt.u32 s15, $0x2  }
0x10: {  	s19 =	smov.u32 s17;
	p2 =	sgt.s32 @!p1 s17, $0x1E;
	s18 =	sshra.s32 @!p1 s17, $0x1F  }
0x11: {  	p3 =	sgt.s32 @!p1 s16, $0x3F80;
	s20 =	sshra.s32 @!p1 s16, $0x1F;
	p2 =	por !p2, p1  }
0x12: {  	s17 =	sand.u32 @!p1 s18, s17;
	p3 =	por !p3, p1;
	s18 =	smov.u32 s16  }
0x13: {  	s16 =	sand.u32 @!p1 s20, s16;
	s19 =	simm.s32 @p2 $0x1E;
	s18 =	simm.s32 @p3 $0x3F80  }
0x14: {  	s20 =	smov.u32 s14;
	s17 =	ssub.s32 @!p1 s19, s17;
	s16 =	ssub.s32 @!p1 s18, s16  }
0x15: {  	s18 =	sadd.s32 @!p1 $0xFFFFFFE2, s17;
	s17 =	ssub.s32 @!p1 $0x20, s17;
	s19 =	sadd.s32 @!p1 $0xFFFFC080, s16  }
0x16: {  	p2 =	sgt.s32 @!p1 s18, $0x1;
	s17 =	smul.u32 @!p1 $0x32, s17;
	p3 =	sgt.s32 @!p1 s19, $0x7F  }
0x17: {  	s16 =	ssub.s32 @!p1 $0x4000, s16;
	p2 =	por !p2, p1;
	p3 =	por !p3, p1  }
0x18: {  	s18 =	sadd.s32 $0x100, s13;
	s17 =	simm.s32 @!p2 $0x0;
	s16 =	simm.s32 @!p3 $0x0  }
0x19: {  	p2 =	sgt.s32 s18, $0x3FFF;
	s16 =	smul.u32 @!p1 s16, s17;
	s17 =	sadd.s32 $0x20, s14  }
0x1a: {  	s20 =	smov.u32 @p2 s17  }
0x1b: {  	s18 =	smov.u32 @p2 s4;
	p2 =	sgt.s32 s20, $0x1F  }
0x1c: {  	s20 =	smov.u32 @p2 s3;
	p2 =	sne.s32 s15, s9  }
.Ltmp1:
0x1d: {  	p0 =	por !p0, !p0;
	s19 =	simm.s32 @!p1 $0x2;
	(pc) =	sbr.rel @!p2 .LBB1_8-.Ltmp1, $4  }
0x1e: {  	s17 =	smov.u32 s12;
	s12 =	smov.u32 s14;
	s16 =	sand.u32 @!p1 $0x3FFFFFFE, s16  }
0x1f: {  	_ =	swait.ge @!p1 [sflag:s19], s16;
	s21 =	ssub.s32 @!p1 $0x0, s16;
	s16 =	smov.u32 s11  }
0x20: {  	s15 =	sadd.s32 $0x1, s15;
	s11 =	smov.u32 s13;
	[sflag:s19] =	ssyncset.done @!p1 $0x0  }
0x21: {  	s13 =	smov.u32 s18;
	s14 =	smov.u32 s20;
	[sflag:s19] =	ssyncadd.s32 @!p1 s21  }
.LBB1_1:
0x22: {  	p1 =	sge.u32 s15, s6  }
0x23: {  	s18 =	sxor.u32 @!p1 $0xFFFFFFFF, s15;
	s19 =	sshll.u32 @!p1 s14, $0x12  }
0x24: {  	s20 =	sshll.u32 @!p1 s13, $0x4;
	s22 =	simm.s32 @!p1 $0x40;
	s23 =	simm.s32 @!p1 $0x80  }
0x25: {  	s18 =	sshll.u32 @!p1 s18, $0xE;
	s20 =	sand.u32 @!p1 $0x3FFF0, s20;
	s21 =	sadd.s32 @!p1 s7, s19  }
0x26: {  	s19 =	sadd.s32 @!p1 s19, s8;
	s18 =	sand.u32 @!p1 $0x4000, s18;
	s21 =	sadd.s32 @!p1 s20, s21  }
0x27: {  	[tilespmem:s18], [sflag:$0x1] =	stream.strided.gather @!p1 [hbm4b:s21+s22], $0x2000, s23, s22, $0x38;
	[tilespmem:$0x10100] =	vst v63  }
0x28: {  	s31 =	sadd.s32 $0xFFFFFFFF, s15;
	s19 =	sadd.s32 @!p1 s20, s19;
	s18 =	sor.u32 @!p1 $0x2000, s18  }
0x29: {  	[tilespmem:s18], [sflag:$0x1] =	stream.strided.gather @!p1 [hbm4b:s19+s22], $0x2000, s23, s22, $0x38;
	[tilespmem:$0x10100] =	vst v63  }
0x2a: {  	p1 =	sge.u32 s31, s6  }
.Ltmp2:
0x2b: {  	_ = 	snop;
	(pc) =	sbr.rel @p1 .LBB1_7-.Ltmp2, $1  }
0x2c: {  	_ =	sdelay $0x3  }
0x2d: {  	s18 =	simm.s32 $0x1;
	s20 =	sand.u32 $0x1, s15  }
0x2e: {  	_ =	swait.ge [sflag:s5], $0x4000;
	s18 =	simm.s32 @!p0 $0x0;
	s20 =	smul.u32 $0x10200, s20  }
0x2f: {  	p2 =	por $0x1, $0x1;
	[sflag:s5] =	ssyncset.done $0x0;
	s19 =	smul.u32 $0x10200, s18  }
0x30: {  	s21 =	sshll.u32 s18, $0x10;
	[sflag:s5] =	ssyncadd.s32 $0xFFFFC000;
	s30 =	sshrl.u32 s20, $0x2  }
0x31: {  	s31 =	sshrl.u32 s21, $0x2;
	s21 =	simm.s32 $0x0;
	s19 =	sshrl.u32 s19, $0x2  }
0x32: {  	s18 =	sor.u32 $0x8000, s30;
	s20 =	sadd.s32 $0x20, s31;
	s19 =	sor.u32 $0x8000, s19  }
.LBB1_3:
0x33: {  	s22 =	sshll.u32 s21, $0xD  }
0x34: {  	s22 =	sand.u32 $0x3FFFE000, s22  }
0x35: {  	s24 =	sadd.s32 s22, s20  }
0x36: {  	s31 =	smul.u32 $0x204, s21;
	v3 =	vld [tilespmem:s24+$0x10]  }
0x37: {  	v1 =	vld [tilespmem:s24+$0xFFFFFFF0]  }
0x38: {  	s21 =	sshra.s32 s31, $0x2;
	v0 =	vld [tilespmem:s24+$0x0]  }
0x39: {  	s21 =	sadd.s32 s21, s19;
	v2 =	vld [tilespmem:s24+$0xFFFFFFE0]  }
0x3a: {  	s22 =	sadd.s32 $0x0, s21  }
0x3b: {  	p1 =	por p2, p2;
	s23 =	simm.s32 $0x4;
	s24 =	sadd.s32 $0x40, s24;
	[tilespmem:s22+$0x3060 ss:$0x102] =	vst.msk $0xffff, v3  }
.LBB1_4:
0x3c: {  	v3 =	vld [tilespmem:s24+$0x10];
	p2 =	sne.s32 s23, $0x1FC;
	[tilespmem:s22+$0x1020 ss:$0x102] =	vst.msk $0xffff, v1;
	s25 =	smov.u32 s23;
	s23 =	sadd.s32 $0x4, s23  }
.Ltmp3:
0x3d: {  	v1 =	vld [tilespmem:s24+$0xFFFFFFF0];
	[tilespmem:s22+$0x2040 ss:$0x102] =	vst.msk $0xffff, v0;
	(pc) =	sbr.rel @p2 .LBB1_4-.Ltmp3, $4  }
0x3e: {  	v0 =	vld [tilespmem:s24+$0x0];
	[tilespmem:s22+$0x0 ss:$0x102] =	vst.msk $0xffff, v2  }
0x3f: {  	s22 =	sshra.s32 s25, $0x2;
	v2 =	vld [tilespmem:s24+$0xFFFFFFE0]  }
0x40: {  	s22 =	sadd.s32 s22, s21  }
0x41: {  	s24 =	sadd.s32 $0x40, s24;
	[tilespmem:s22+$0x3060 ss:$0x102] =	vst.msk $0xffff, v3  }
.Ltmp4:
0x42: {  	(pc) =	sbr.rel @p1 .LBB1_3-.Ltmp4, $4  }
0x43: {  	_ = 	snop  }
0x44: {  	[tilespmem:s22+$0x1020 ss:$0x102] =	vst.msk $0xffff, v1  }
0x45: {  	[tilespmem:s22+$0x2040 ss:$0x102] =	vst.msk $0xffff, v0  }
0x46: {  	s21 =	simm.s32 $0x1;
	p2 =	por $0x0, $0x0;
	[tilespmem:s22+$0x0 ss:$0x102] =	vst.msk $0xffff, v2  }
0x47: {  	s19 =	sand.u32 $0x78, s11;
	p1 =	sgt.s32 s12, $0x1E;
	s20 =	smov.u32 s12  }
0x48: {  	s21 =	sshra.s32 s12, $0x1F;
	s22 =	sshll.u32 s12, $0xE;
	s23 =	sshll.u32 s11, $0x3  }
0x49: {  	s30 =	sshra.s32 s11, $0x1F;
	s25 =	sshll.u32 s12, $0x7;
	s20 =	simm.s32 @!p1 $0x1E  }
0x4a: {  	s21 =	sand.u32 s21, s12;
	s22 =	sand.u32 $0x60000, s22;
	p1 =	sgt.s32 s11, $0x3F80  }
0x4b: {  	s25 =	sand.u32 $0x380, s25;
	s20 =	ssub.s32 s20, s21;
	s21 =	smov.u32 s11  }
0x4c: {  	s22 =	sadd.s32 s22, s23;
	s24 =	sadd.s32 $0xFFFFFFE2, s20;
	s21 =	simm.s32 @!p1 $0x3F80  }
0x4d: {  	s20 =	ssub.s32 $0x20, s20;
	p1 =	sgt.s32 s24, $0x1;
	s24 =	sand.u32 s30, s11  }
0x4e: {  	s23 =	sand.u32 $0x3C00, s23;
	s20 =	smul.u32 $0x32, s20;
	s21 =	ssub.s32 s21, s24  }
0x4f: {  	s19 =	sor.u32 s25, s19;
	s22 =	sand.u32 $0x7C000, s22;
	s24 =	sadd.s32 $0xFFFFC080, s21  }
0x50: {  	s20 =	simm.s32 @p1 $0x0;
	s21 =	ssub.s32 $0x4000, s21;
	p1 =	sgt.s32 s24, $0x7F  }
.Ltmp5:
0x51: {  	s19 =	sor.u32 s23, s19;
	s21 =	simm.s32 @p1 $0x0;
	(pc) =	sbr.rel .LBB1_7-.Ltmp5, $4  }
0x52: {  	s31 =	sand.u32 $0x7, s11;
	s19 =	sor.u32 s22, s19;
	s20 =	smul.u32 s21, s20  }
0x53: {  	s19 =	sshrl.u32 s19, $0x3;
	s21 =	sshll.u32 s31, $0x12  }
0x54: {  	s19 =	sadd.s32 s2, s19;
	s21 =	sor.u32 $0x100, s21;
	s20 =	sand.u32 $0x3FFFFFFE, s20  }
0x55: {  	[hbm4b:s19+s21] =	stream.strided.scatter [tilespmem:s18], [sflag:$0x2], s20, s10, s21, $0x20;
	[tilespmem:$0x10100] =	vst v63  }
.LBB1_8:
0x56: {  	_ =	sfence.sel $0x180000  }
0x57: {  	s2 =	simm.s32 $0x1;
	[bflag:$0x0] =	sbarrier.arrive $0xFFFF  }
0x58: {  	s31 =	simm.s32 $0x2;
	[sflag:s2] =	ssyncpa.u1 $0x1  }
0x59: {  	[sflag:s31] =	ssyncpa.u1 $0x1  }
0x5a: {  	p0 =	sne.s32 s1, $0x0;
	_ =	strace $0x9000004D  }
0x5b: {  	s0 =	sadd.s32 @!p0 $0x100000, s0;
	[bflag:$0x2] =	sbarrier.arrive $0xFFFF  }
0x5c: {  	[sflag:s0] =	ssyncadd.tile.s32 @!p0 $0x1;
	_ =	shalt  }
.Lfunc_end1:
_tile_overlayer_lowered:
.L_overlay_start_2:
0x5d: {  	(tag) =	ssettag $0x2  }
0x5e: {  	s0 =	rddreg [dreg:$0x0];
	s2 =	stileid.u32  }
0x5f: {  	s1 =	rddreg [dreg:$0x1];
	p0 =	sne.s32 s2, $0x0  }
0x60: {  	s3 =	rddreg [dreg:$0x2];
	[bflag:$0x3] =	sbarrier.arrive $0xFFFF;
	s2 =	simm.s32 @!p0 $0x1C01  }
0x61: {  	[timem:s3], [sflag:s2] =	dma.local @!p0 [hbm:s0], s1  }
0x62: {  	s0 =	simm.s32 @!p0 $0x1  }
0x63: {  	_ =	swait.ge @!p0 [sflag:s0], s1  }
0x64: {  	s1 =	ssub.s32 @!p0 $0x0, s1;
	[sflag:s0] =	ssyncset.done @!p0 $0x0  }
0x65: {  	[sflag:s0] =	ssyncadd.s32 @!p0 s1  }
0x66: {  	[bflag:$0x3] =	sbarrier.arrive $0xFFFF  }
0x67: {  	_ =	shalt  }

</sc_bundles>
